<compile_context>
chip_gen: v7x
topology: tpu7x:2x2x1
jax: 0.10.2.dev20260603
libtpu: 0.0.44.dev20260713+nightly
codegen_flags: <defaults>
</compile_context>

<pallas_src>
import functools

import jax
import jax.numpy as jnp
import numpy as np
from jax import lax
from jax.experimental import pallas as pl
from jax.experimental.pallas import tpu as pltpu
from jax.experimental.pallas import tpu_sc as plsc

_MUL = 32
_DIM = 128
_RH = 32
_SQ3 = float(np.sqrt(3.0))
_SCALE = float(1.0 / np.sqrt(2.0 * _MUL) / np.sqrt(_RH))

_NC = 2
_NS = 16


def _perm_planar() -> np.ndarray:
    perm = np.zeros(_DIM, dtype=np.int64)
    perm[:_MUL] = np.arange(_MUL)
    for m in range(3):
        for i in range(_MUL):
            perm[_MUL + _MUL * m + i] = _MUL + 3 * i + m
    return np.eye(_DIM, dtype=np.float32)[perm].T


_P_PLANAR = _perm_planar()
_P_OUT = np.ascontiguousarray(_P_PLANAR.T)


def _equiv_planar(hp, ws, bs, wv):
    inv = float(1.0 / np.sqrt(_MUL))
    s = jnp.dot(hp[:, 0:_MUL], ws, preferred_element_type=jnp.float32) * inv
    s = s + bs
    outs = [s]
    for m in range(3):
        a = _MUL + _MUL * m
        outs.append(jnp.dot(hp[:, a:a + _MUL], wv,
                            preferred_element_type=jnp.float32) * inv)
    return jnp.concatenate(outs, axis=1)


def _pre_call(h2, p_in, li_ws, li_bs, li_wv, es2, ed2, n_nodes):
    bn = h2.shape[0]
    rows_per_batch = es2.shape[0] * es2.shape[1] // (bn // n_nodes) \
        // es2.shape[1]

    def body(h_ref, p_ref, ws_ref, bs_ref, wv_ref, esrc_ref, edst_ref,
             hin_ref, fsrc_ref, fdst_ref):
        hp = jnp.dot(h_ref[...], p_ref[...],
                     preferred_element_type=jnp.float32)
        hin_ref[...] = _equiv_planar(hp, ws_ref[...], bs_ref[...], wv_ref[...])
        row_iota = lax.broadcasted_iota(jnp.int32, esrc_ref.shape, 0)
        boff = (row_iota // rows_per_batch) * n_nodes
        fsrc_ref[...] = esrc_ref[...] + boff
        fdst_ref[...] = edst_ref[...] + boff

    return pl.pallas_call(
        body,
        out_shape=[
            jax.ShapeDtypeStruct((bn, _DIM), jnp.float32),
            jax.ShapeDtypeStruct(es2.shape, jnp.int32),
            jax.ShapeDtypeStruct(es2.shape, jnp.int32),
        ],
    )(h2, p_in, li_ws, li_bs, li_wv, es2, ed2)


def _gather_call(fsrc2, hin, chunk, nchunks):
    edges = fsrc2.shape[0] * fsrc2.shape[1] // nchunks
    per_w = edges // (_NC * _NS)
    rows_per_w = fsrc2.shape[1]
    k = per_w // rows_per_w
    base_row = chunk * (edges // rows_per_w)
    mesh = plsc.VectorSubcoreMesh(core_axis_name="c", subcore_axis_name="s",
                                  num_cores=_NC, num_subcores=_NS)

    @functools.partial(
        pl.kernel,
        out_type=jax.ShapeDtypeStruct((edges, _DIM), jnp.float32),
        mesh=mesh,
        scratch_types=[
            pltpu.VMEM((k, rows_per_w), jnp.int32),
            pltpu.VMEM((per_w, _DIM), jnp.float32),
            pltpu.SemaphoreType.DMA,
        ],
    )
    def _gather(idx_hbm, table_hbm, out_hbm, idx_v, rows_v, sem):
        wid = lax.axis_index("s") * _NC + lax.axis_index("c")
        pltpu.sync_copy(idx_hbm.at[pl.ds(base_row + wid * k, k)], idx_v)
        cps = [
            pltpu.async_copy(table_hbm.at[idx_v.at[j]],
                             rows_v.at[pl.ds(j * rows_per_w, rows_per_w)], sem)
            for j in range(k)
        ]
        for c in cps:
            c.wait()
        pltpu.sync_copy(rows_v, out_hbm.at[pl.ds(wid * per_w, per_w)])

    return _gather(fsrc2, hin)


_EBLK = 1024


def _msg_body(attr_ref, hsrc_ref, rw1_ref, wbig_ref, rrep_ref, out_ref):
    att = attr_ref[...]
    a0, a1, a2 = att[0:1, :], att[1:2, :], att[2:3, :]
    rn = jnp.sqrt(a0 * a0 + a1 * a1 + a2 * a2) + 1e-8
    ir = 1.0 / rn
    zt = jnp.transpose(jnp.concatenate(
        [_SQ3 * a0 * ir, _SQ3 * a1 * ir, _SQ3 * a2 * ir, rn], axis=0))
    y0, y1, y2 = zt[:, 0:1], zt[:, 1:2], zt[:, 2:3]
    rnorm = zt[:, 3:4]
    pre = rnorm * rw1_ref[...]
    hid = pre * jax.nn.sigmoid(pre)
    hs = hsrc_ref[...]
    s = hs[:, 0:_MUL]
    v0 = hs[:, _MUL:2 * _MUL]
    v1 = hs[:, 2 * _MUL:3 * _MUL]
    v2 = hs[:, 3 * _MUL:4 * _MUL]
    inner = (v0 * y0 + v1 * y1 + v2 * y2) * (1.0 / _SQ3)
    hrep = jnp.dot(hid, rrep_ref[...], preferred_element_type=jnp.float32)
    hlo, hhi = hrep[:, :512], hrep[:, 512:]
    bf = jnp.bfloat16

    def contract(t):
        x = hlo * t[:, :512] + hhi * t[:, 512:]
        y = (x[:, :128] + x[:, 128:256]) + (x[:, 256:384] + x[:, 384:512])
        return (y[:, :32] + y[:, 32:64]) + (y[:, 64:96] + y[:, 96:128])

    x_all = jnp.concatenate(
        [s, inner, v0, s * y0, v1, s * y1, v2, s * y2], axis=1)
    t_all = jnp.dot(x_all.astype(bf), wbig_ref[...],
                    preferred_element_type=jnp.float32)
    out_ref[...] = jnp.concatenate(
        [_SCALE * contract(t_all[:, :1024]),
         _SCALE * contract(t_all[:, 1024:2048]),
         _SCALE * contract(t_all[:, 2048:3072]),
         _SCALE * contract(t_all[:, 3072:])], axis=1)


def _msg_call(attr2, hsrc, rad_w1, w_big, r_rep, chunk, nchunks):
    edges = attr2.shape[1] // nchunks
    grid = edges // _EBLK
    off = chunk * grid
    return pl.pallas_call(
        _msg_body,
        grid=(grid,),
        in_specs=[
            pl.BlockSpec((3, _EBLK), lambda i: (0, i + off)),
            pl.BlockSpec((_EBLK, _DIM), lambda i: (i, 0)),
            pl.BlockSpec((1, _RH), lambda i: (0, 0)),
            pl.BlockSpec((256, 4096), lambda i: (0, 0)),
            pl.BlockSpec((_RH, 1024), lambda i: (0, 0)),
        ],
        out_specs=pl.BlockSpec((_EBLK, _DIM), lambda i: (i, 0)),
        out_shape=jax.ShapeDtypeStruct((edges, _DIM), jnp.float32),
    )(attr2, hsrc, rad_w1, w_big, r_rep)


def _scatter_call(fdst2, msg, zeros_hbm, chunk, nchunks):
    edges = fdst2.shape[0] * fdst2.shape[1] // nchunks
    bn = zeros_hbm.shape[0]
    per_w = edges // (_NC * _NS)
    rows_per_w = fdst2.shape[1]
    k = per_w // rows_per_w
    base_row = chunk * (edges // rows_per_w)
    rows_per_tile = bn // _NS
    mesh = plsc.VectorSubcoreMesh(core_axis_name="c", subcore_axis_name="s",
                                  num_cores=_NC, num_subcores=_NS)

    @functools.partial(
        pl.kernel,
        out_type=jax.ShapeDtypeStruct((_NC, bn, _DIM), jnp.float32),
        mesh=mesh,
        scratch_types=[
            pltpu.VMEM((k, rows_per_w), jnp.int32),
            pltpu.VMEM((per_w, _DIM), jnp.float32),
            pltpu.VMEM_SHARED((bn, _DIM), jnp.float32),
        ],
    )
    def _scatter(idx_hbm, msg_hbm, z_hbm, out_hbm, idx_v, rows_v, acc):
        cid = lax.axis_index("c")
        sid = lax.axis_index("s")
        wid = sid * _NC + cid
        r0 = sid * rows_per_tile
        pltpu.sync_copy(z_hbm.at[pl.ds(r0, rows_per_tile)],
                        acc.at[pl.ds(r0, rows_per_tile)])
        pltpu.sync_copy(idx_hbm.at[pl.ds(base_row + wid * k, k)], idx_v)
        pltpu.sync_copy(msg_hbm.at[pl.ds(wid * per_w, per_w)], rows_v)
        plsc.subcore_barrier()
        for j in range(k):
            pltpu.sync_copy(rows_v.at[pl.ds(j * rows_per_w, rows_per_w)],
                            acc.at[idx_v.at[j]], add=True)
        plsc.subcore_barrier()
        pltpu.sync_copy(acc.at[pl.ds(r0, rows_per_tile)],
                        out_hbm.at[cid, pl.ds(r0, rows_per_tile)])

    return _scatter(fdst2, msg, zeros_hbm)


def _fin_body(*refs):
    part_refs = refs[:-7]
    h_ref, p_ref, ws_ref, bs_ref, wv_ref, pout_ref, out_ref = refs[-7:]
    hp = jnp.dot(h_ref[...], p_ref[...], preferred_element_type=jnp.float32)
    res = _equiv_planar(hp, ws_ref[...], bs_ref[...], wv_ref[...])
    x = res
    for pr in part_refs:
        x = x + pr[0] + pr[1]
    s = x[:, 0:_MUL]
    v0 = x[:, _MUL:2 * _MUL]
    v1 = x[:, 2 * _MUL:3 * _MUL]
    v2 = x[:, 3 * _MUL:4 * _MUL]
    ns = jnp.abs(s)
    s2 = s * (ns * jax.nn.sigmoid(ns)) / (ns + 1e-8)
    nv = jnp.sqrt(v0 * v0 + v1 * v1 + v2 * v2)
    f = (nv * jax.nn.sigmoid(nv)) / (nv + 1e-8)
    y = jnp.concatenate([s2, v0 * f, v1 * f, v2 * f], axis=1)
    out_ref[...] = jnp.dot(y, pout_ref[...],
                           preferred_element_type=jnp.float32)


def _fin_call(parts_list, h2, p_in, res_ws, res_bs, res_wv, pout):
    bn = h2.shape[0]
    return pl.pallas_call(
        _fin_body,
        out_shape=jax.ShapeDtypeStruct((bn, _DIM), jnp.float32),
    )(*parts_list, h2, p_in, res_ws, res_bs, res_wv, pout)


def kernel(h, e_src, e_dst, e_attr3, li_ws, li_bs, li_wv,
           rad_w1, rad_w2, res_ws, res_bs, res_wv):
    b, n, c = h.shape
    e = e_attr3.shape[1]
    edges = b * e

    p_in = jnp.asarray(_P_PLANAR)
    rad4 = rad_w2.reshape(_RH, 4, _MUL, _MUL)
    def perm(p):
        return rad4[:, p].transpose(1, 0, 2).reshape(_MUL, _RH * _MUL)
    z = jnp.zeros((_MUL, _RH * _MUL), jnp.float32)
    w_mv = [perm(2), perm(1)]
    rows = []
    for blk_i, pair in enumerate([[perm(0), perm(3)], w_mv, w_mv, w_mv]):
        for half in range(2):
            rows.append(jnp.concatenate(
                [pair[half] if cb == blk_i else z for cb in range(4)], axis=1))
    w_big = jnp.concatenate(rows, axis=0).astype(jnp.bfloat16)
    r_rep = jnp.asarray(np.repeat(np.eye(_RH, dtype=np.float32), _MUL, axis=1))
    pout = jnp.asarray(_P_OUT)
    zeros = jnp.zeros((b * n, _DIM), jnp.float32)

    h2 = h.reshape(b * n, c)
    idx_cols = 128
    hin, fsrc2, fdst2 = _pre_call(
        h2, p_in, li_ws, li_bs.reshape(1, _MUL), li_wv,
        e_src.reshape(edges // idx_cols, idx_cols),
        e_dst.reshape(edges // idx_cols, idx_cols), n)
    attr2 = e_attr3.transpose(2, 0, 1).reshape(3, edges)
    nchunks = 1
    parts_list = []
    for ck in range(nchunks):
        hsrc = _gather_call(fsrc2, hin, ck, nchunks)
        msg = _msg_call(attr2, hsrc, rad_w1, w_big, r_rep,
                        ck, nchunks)
        parts_list.append(_scatter_call(fdst2, msg, zeros, ck, nchunks))
    out = _fin_call(parts_list, h2, p_in, res_ws, res_bs.reshape(1, _MUL),
                    res_wv, pout)
    return out.reshape(b, n, c)

# --- scband reference (transcript-rebuilt; emitter-appended) ---
"""Pipeline reference for scband-equiv-block-40407052321387 (READ-ONLY COPY).

The authoritative reference and input builder live on the scoring server;
editing this copy changes nothing except your own understanding.
"""

import jax, jax.numpy as jnp
import numpy as np

MUL = 32
SC = MUL
VC = MUL
DIM = SC + 3 * VC
WN = 4 * MUL * MUL
RH = 32


def _split(x):
    s = x[..., :SC]
    v = x[..., SC:].reshape(x.shape[:-1] + (VC, 3))
    return s, v


def _merge(s, v):
    return jnp.concatenate([s, v.reshape(v.shape[:-2] + (3 * VC,))], axis=-1)


def _equiv_linear(x, ws, bs, wv):
    # e3nn o3.Linear on '32x0e + 32x1o': block-diagonal per irrep, bias only on scalars,
    # 1/sqrt(fan_in) normalization.
    s, v = _split(x)
    s2 = s @ ws / np.sqrt(SC) + bs
    v2 = jnp.einsum('...im,ij->...jm', v, wv) / np.sqrt(VC)
    return _merge(s2, v2)


def _norm_act(x, eps=1e-8):
    # e3nn NormActivation with SiLU, normalize=True: field * act(||field||)/||field||
    s, v = _split(x)
    ns = jnp.abs(s)
    s2 = s * jax.nn.silu(ns) / (ns + eps)
    nv = jnp.linalg.norm(v, axis=-1, keepdims=True)
    v2 = v * jax.nn.silu(nv) / (nv + eps)
    return _merge(s2, v2)


def setup_inputs(seed: int = 0):
    key = jax.random.key(seed)
    ks = jax.random.split(key, 12)
    B, N, E = 4, 512, 4096
    h = jax.random.normal(ks[0], (B, N, DIM), dtype=jnp.float32)
    e_src = jax.random.randint(ks[1], (B, E), 0, N)
    e_dst = jax.random.randint(ks[2], (B, E), 0, N)
    e_attr3 = jax.random.normal(ks[3], (B, E, 3), dtype=jnp.float32)
    li_ws = jax.random.normal(ks[4], (SC, SC), dtype=jnp.float32)
    li_bs = jnp.zeros((SC,), dtype=jnp.float32)
    li_wv = jax.random.normal(ks[5], (VC, VC), dtype=jnp.float32)
    rad_w1 = jax.random.normal(ks[6], (1, RH), dtype=jnp.float32)
    rad_w2 = jax.random.normal(ks[7], (RH, WN), dtype=jnp.float32)
    res_ws = jax.random.normal(ks[8], (SC, SC), dtype=jnp.float32)
    res_bs = jnp.zeros((SC,), dtype=jnp.float32)
    res_wv = jax.random.normal(ks[9], (VC, VC), dtype=jnp.float32)
    return {'h': h, 'e_src': e_src, 'e_dst': e_dst, 'e_attr3': e_attr3,
            'li_ws': li_ws, 'li_bs': li_bs, 'li_wv': li_wv,
            'rad_w1': rad_w1, 'rad_w2': rad_w2,
            'res_ws': res_ws, 'res_bs': res_bs, 'res_wv': res_wv}


def reference(h, e_src, e_dst, e_attr3, li_ws, li_bs, li_wv, rad_w1, rad_w2, res_ws, res_bs, res_wv):
    B, N, C = h.shape
    E = e_attr3.shape[1]
    rows = jnp.arange(B)[:, None] * N
    # input equivariant linear
    h_in = _equiv_linear(h, li_ws, li_bs, li_wv)
    # gather source node features per edge
    idx_src = (e_src + rows).reshape(-1)
    h_src = jnp.take(h_in.reshape(B * N, C), idx_src, axis=0).reshape(B, E, C)
    # edge vectors -> spherical harmonics (lmax=1, component normalization)
    r = e_attr3
    rnorm = jnp.linalg.norm(r, axis=-1, keepdims=True) + 1e-8
    r_hat = r / rnorm
    y1 = np.sqrt(3.0) * r_hat  # l=1 component-normalized SH; Y_0 = 1
    # radial MLP [1 -> 32 -> weight_numel], SiLU, 1/sqrt(fan_in) norm, no biases
    hid = jax.nn.silu(rnorm @ rad_w1)
    w = (hid @ rad_w2) / np.sqrt(RH)
    w = w.reshape(B, E, 4, MUL, MUL)
    w1 = w[..., 0, :, :]  # 0e x 0e -> 0e
    w2 = w[..., 1, :, :]  # 0e x 1o -> 1o
    w3 = w[..., 2, :, :]  # 1o x 0e -> 1o
    w4 = w[..., 3, :, :]  # 1o x 1o -> 0e
    s_src, v_src = _split(h_src)
    alpha = 1.0 / np.sqrt(2.0 * MUL)  # path normalization: 2 paths of fan MUL per output
    inner = jnp.einsum('beim,bem->bei', v_src, y1) / np.sqrt(3.0)  # CG 1x1->0 = delta/sqrt(3)
    m_s = alpha * (jnp.einsum('bei,beij->bej', s_src, w1)
                   + jnp.einsum('bei,beij->bej', inner, w4))
    m_v = alpha * (jnp.einsum('bei,beij,bem->bejm', s_src, w2, y1)
                   + jnp.einsum('beim,beij->bejm', v_src, w3))
    msg = _merge(m_s, m_v)  # (B, E, C)
    # scatter-add messages to destination nodes
    flat_dst = (e_dst + rows).reshape(-1)
    agg = jnp.zeros((B * N, C), dtype=h.dtype).at[flat_dst].add(msg.reshape(B * E, C))
    agg = agg.reshape(B, N, C)
    # residual + equivariant norm-activation
    h_out = agg + _equiv_linear(h, res_ws, res_bs, res_wv)
    return _norm_act(h_out)

if __name__ == "__main__":
    import jax
    _d = setup_inputs()
    print(jax.jit(kernel)(*tuple(_d.values())))

</pallas_src>

<mosaic_0001>
#map = affine_map<(d0, d1) -> (0, 0)>
module attributes {stable_mosaic.version = 14 : i64} {
  func.func @_gather(%arg0: i32, %arg1: i32, %arg2: memref<128x128xi32, #tpu.memory_space<hbm>>, %arg3: memref<2048x128xf32, #tpu.memory_space<hbm>>, %arg4: memref<16384x128xf32, #tpu.memory_space<hbm>>, %arg5: memref<4x128xi32, #tpu.memory_space<vmem>>, %arg6: memref<512x128xf32, #tpu.memory_space<vmem>>, %arg7: memref<!tpu.dma_semaphore, #tpu.memory_space<semaphore_mem>>) attributes {dimension_semantics = [#tpu.dimension_semantics<core_parallel>, #tpu.dimension_semantics<subcore_parallel>], iteration_bounds = array<i64: 2, 16>, scalar_prefetch = 0 : i64, scratch_operands = 3 : i64, tpu.core_type = #tpu.core_type<sc_vector_subcore>, window_params = [{transform_indices = #map}, {transform_indices = #map}, {transform_indices = #map}]} {
    %mul3A = arith.constant 2 : i32
    %mul3A_0 = arith.muli %arg1, %mul3A : i32
    %add3A = arith.addi %mul3A_0, %arg0 : i32
    %mul3A_1 = arith.constant 4 : i32
    %mul3A_2 = arith.muli %add3A, %mul3A_1 : i32
    %add3A_3 = arith.constant 0 : i32
    %add3A_4 = arith.addi %add3A_3, %mul3A_2 : i32
    "tpu.region"() ({
      %run_scoped3A = tpu.sem_alloc : memref<!tpu.dma_semaphore, #tpu.memory_space<semaphore_mem>>
      %dma_start3A_85 = arith.constant 0 : i32
      %dma_start3A_86 = tpu.memref_slice %arg2[%add3A_4, %dma_start3A_85] : memref<128x128xi32, #tpu.memory_space<hbm>> -> memref<4x128xi32, #tpu.memory_space<hbm>>
      %dma_start3A_87 = arith.constant 0 : i32
      %dma_start3A_88 = tpu.memref_slice %arg2[%add3A_4, %dma_start3A_87] : memref<128x128xi32, #tpu.memory_space<hbm>> -> memref<4x128xi32, #tpu.memory_space<hbm>>
      tpu.enqueue_dma source(%dma_start3A_88 : memref<4x128xi32, #tpu.memory_space<hbm>>) target(%arg5 : memref<4x128xi32, #tpu.memory_space<vmem>>) target_semaphore(%run_scoped3A : memref<!tpu.dma_semaphore, #tpu.memory_space<semaphore_mem>>)
      %dma_wait3A_89 = arith.constant 0 : i32
      %dma_wait3A_90 = tpu.memref_slice %arg2[%add3A_4, %dma_wait3A_89] : memref<128x128xi32, #tpu.memory_space<hbm>> -> memref<4x128xi32, #tpu.memory_space<hbm>>
      %dma_wait3A_91 = arith.constant 0 : i32
      %dma_wait3A_92 = tpu.memref_slice %arg2[%add3A_4, %dma_wait3A_91] : memref<128x128xi32, #tpu.memory_space<hbm>> -> memref<4x128xi32, #tpu.memory_space<hbm>>
      tpu.wait_dma2 semaphore(%run_scoped3A : memref<!tpu.dma_semaphore, #tpu.memory_space<semaphore_mem>>) src(%dma_wait3A_92 : memref<4x128xi32, #tpu.memory_space<hbm>>) dst(%arg5 : memref<4x128xi32, #tpu.memory_space<vmem>>)
      tpu.yield
    }) : () -> ()
    %dma_start3A = arith.constant 0 : i32
    %dma_start3A_5 = arith.constant 0 : i32
    %dma_start3A_6 = arith.constant 0 : i32
    %dma_start3A_7 = tpu.memref_slice %arg6[%dma_start3A_5, %dma_start3A_6] : memref<512x128xf32, #tpu.memory_space<vmem>> -> memref<128x128xf32, #tpu.memory_space<vmem>>
    %dma_start3A_8 = arith.constant 0 : i32
    %dma_start3A_9 = tpu.memref_slice %arg5[%dma_start3A, %dma_start3A_8] : memref<4x128xi32, #tpu.memory_space<vmem>> -> memref<1x128xi32, #tpu.memory_space<vmem>>
    %dma_start3A_10 = tpu.memref_squeeze %dma_start3A_9 : memref<1x128xi32, #tpu.memory_space<vmem>> -> memref<128xi32, #tpu.memory_space<vmem>>
    %dma_start3A_11 = arith.constant 0 : i32
    %dma_start3A_12 = arith.constant 0 : i32
    %dma_start3A_13 = tpu.memref_slice %arg3[%dma_start3A_11, %dma_start3A_12] : memref<2048x128xf32, #tpu.memory_space<hbm>> -> memref<2048x128xf32, #tpu.memory_space<hbm>>
    tpu.enqueue_indirect_dma source(%dma_start3A_13 : memref<2048x128xf32, #tpu.memory_space<hbm>>) target(%dma_start3A_7 : memref<128x128xf32, #tpu.memory_space<vmem>>) offsets(%dma_start3A_10 : memref<128xi32, #tpu.memory_space<vmem>>) semaphore(%arg7 : memref<!tpu.dma_semaphore, #tpu.memory_space<semaphore_mem>>)
    %dma_start3A_14 = arith.constant 1 : i32
    %dma_start3A_15 = arith.constant 128 : i32
    %dma_start3A_16 = arith.constant 0 : i32
    %dma_start3A_17 = tpu.memref_slice %arg6[%dma_start3A_15, %dma_start3A_16] : memref<512x128xf32, #tpu.memory_space<vmem>> -> memref<128x128xf32, #tpu.memory_space<vmem>>
    %dma_start3A_18 = arith.constant 0 : i32
    %dma_start3A_19 = tpu.memref_slice %arg5[%dma_start3A_14, %dma_start3A_18] : memref<4x128xi32, #tpu.memory_space<vmem>> -> memref<1x128xi32, #tpu.memory_space<vmem>>
    %dma_start3A_20 = tpu.memref_squeeze %dma_start3A_19 : memref<1x128xi32, #tpu.memory_space<vmem>> -> memref<128xi32, #tpu.memory_space<vmem>>
    %dma_start3A_21 = arith.constant 0 : i32
    %dma_start3A_22 = arith.constant 0 : i32
    %dma_start3A_23 = tpu.memref_slice %arg3[%dma_start3A_21, %dma_start3A_22] : memref<2048x128xf32, #tpu.memory_space<hbm>> -> memref<2048x128xf32, #tpu.memory_space<hbm>>
    tpu.enqueue_indirect_dma source(%dma_start3A_23 : memref<2048x128xf32, #tpu.memory_space<hbm>>) target(%dma_start3A_17 : memref<128x128xf32, #tpu.memory_space<vmem>>) offsets(%dma_start3A_20 : memref<128xi32, #tpu.memory_space<vmem>>) semaphore(%arg7 : memref<!tpu.dma_semaphore, #tpu.memory_space<semaphore_mem>>)
    %dma_start3A_24 = arith.constant 2 : i32
    %dma_start3A_25 = arith.constant 256 : i32
    %dma_start3A_26 = arith.constant 0 : i32
    %dma_start3A_27 = tpu.memref_slice %arg6[%dma_start3A_25, %dma_start3A_26] : memref<512x128xf32, #tpu.memory_space<vmem>> -> memref<128x128xf32, #tpu.memory_space<vmem>>
    %dma_start3A_28 = arith.constant 0 : i32
    %dma_start3A_29 = tpu.memref_slice %arg5[%dma_start3A_24, %dma_start3A_28] : memref<4x128xi32, #tpu.memory_space<vmem>> -> memref<1x128xi32, #tpu.memory_space<vmem>>
    %dma_start3A_30 = tpu.memref_squeeze %dma_start3A_29 : memref<1x128xi32, #tpu.memory_space<vmem>> -> memref<128xi32, #tpu.memory_space<vmem>>
    %dma_start3A_31 = arith.constant 0 : i32
    %dma_start3A_32 = arith.constant 0 : i32
    %dma_start3A_33 = tpu.memref_slice %arg3[%dma_start3A_31, %dma_start3A_32] : memref<2048x128xf32, #tpu.memory_space<hbm>> -> memref<2048x128xf32, #tpu.memory_space<hbm>>
    tpu.enqueue_indirect_dma source(%dma_start3A_33 : memref<2048x128xf32, #tpu.memory_space<hbm>>) target(%dma_start3A_27 : memref<128x128xf32, #tpu.memory_space<vmem>>) offsets(%dma_start3A_30 : memref<128xi32, #tpu.memory_space<vmem>>) semaphore(%arg7 : memref<!tpu.dma_semaphore, #tpu.memory_space<semaphore_mem>>)
    %dma_start3A_34 = arith.constant 3 : i32
    %dma_start3A_35 = arith.constant 384 : i32
    %dma_start3A_36 = arith.constant 0 : i32
    %dma_start3A_37 = tpu.memref_slice %arg6[%dma_start3A_35, %dma_start3A_36] : memref<512x128xf32, #tpu.memory_space<vmem>> -> memref<128x128xf32, #tpu.memory_space<vmem>>
    %dma_start3A_38 = arith.constant 0 : i32
    %dma_start3A_39 = tpu.memref_slice %arg5[%dma_start3A_34, %dma_start3A_38] : memref<4x128xi32, #tpu.memory_space<vmem>> -> memref<1x128xi32, #tpu.memory_space<vmem>>
    %dma_start3A_40 = tpu.memref_squeeze %dma_start3A_39 : memref<1x128xi32, #tpu.memory_space<vmem>> -> memref<128xi32, #tpu.memory_space<vmem>>
    %dma_start3A_41 = arith.constant 0 : i32
    %dma_start3A_42 = arith.constant 0 : i32
    %dma_start3A_43 = tpu.memref_slice %arg3[%dma_start3A_41, %dma_start3A_42] : memref<2048x128xf32, #tpu.memory_space<hbm>> -> memref<2048x128xf32, #tpu.memory_space<hbm>>
    tpu.enqueue_indirect_dma source(%dma_start3A_43 : memref<2048x128xf32, #tpu.memory_space<hbm>>) target(%dma_start3A_37 : memref<128x128xf32, #tpu.memory_space<vmem>>) offsets(%dma_start3A_40 : memref<128xi32, #tpu.memory_space<vmem>>) semaphore(%arg7 : memref<!tpu.dma_semaphore, #tpu.memory_space<semaphore_mem>>)
    %dma_wait3A = arith.constant 0 : i32
    %dma_wait3A_44 = arith.constant 0 : i32
    %dma_wait3A_45 = arith.constant 0 : i32
    %dma_wait3A_46 = tpu.memref_slice %arg6[%dma_wait3A_44, %dma_wait3A_45] : memref<512x128xf32, #tpu.memory_space<vmem>> -> memref<128x128xf32, #tpu.memory_space<vmem>>
    %dma_wait3A_47 = arith.constant 0 : i32
    %dma_wait3A_48 = tpu.memref_slice %arg5[%dma_wait3A, %dma_wait3A_47] : memref<4x128xi32, #tpu.memory_space<vmem>> -> memref<1x128xi32, #tpu.memory_space<vmem>>
    %dma_wait3A_49 = tpu.memref_squeeze %dma_wait3A_48 : memref<1x128xi32, #tpu.memory_space<vmem>> -> memref<128xi32, #tpu.memory_space<vmem>>
    %dma_wait3A_50 = arith.constant 0 : i32
    %dma_wait3A_51 = arith.constant 0 : i32
    %dma_wait3A_52 = tpu.memref_slice %arg3[%dma_wait3A_50, %dma_wait3A_51] : memref<2048x128xf32, #tpu.memory_space<hbm>> -> memref<2048x128xf32, #tpu.memory_space<hbm>>
    tpu.wait_indirect_dma semaphore(%arg7 : memref<!tpu.dma_semaphore, #tpu.memory_space<semaphore_mem>>) src(%dma_wait3A_52 : memref<2048x128xf32, #tpu.memory_space<hbm>>) dst(%dma_wait3A_46 : memref<128x128xf32, #tpu.memory_space<vmem>>)
    %dma_wait3A_53 = arith.constant 1 : i32
    %dma_wait3A_54 = arith.constant 128 : i32
    %dma_wait3A_55 = arith.constant 0 : i32
    %dma_wait3A_56 = tpu.memref_slice %arg6[%dma_wait3A_54, %dma_wait3A_55] : memref<512x128xf32, #tpu.memory_space<vmem>> -> memref<128x128xf32, #tpu.memory_space<vmem>>
    %dma_wait3A_57 = arith.constant 0 : i32
    %dma_wait3A_58 = tpu.memref_slice %arg5[%dma_wait3A_53, %dma_wait3A_57] : memref<4x128xi32, #tpu.memory_space<vmem>> -> memref<1x128xi32, #tpu.memory_space<vmem>>
    %dma_wait3A_59 = tpu.memref_squeeze %dma_wait3A_58 : memref<1x128xi32, #tpu.memory_space<vmem>> -> memref<128xi32, #tpu.memory_space<vmem>>
    %dma_wait3A_60 = arith.constant 0 : i32
    %dma_wait3A_61 = arith.constant 0 : i32
    %dma_wait3A_62 = tpu.memref_slice %arg3[%dma_wait3A_60, %dma_wait3A_61] : memref<2048x128xf32, #tpu.memory_space<hbm>> -> memref<2048x128xf32, #tpu.memory_space<hbm>>
    tpu.wait_indirect_dma semaphore(%arg7 : memref<!tpu.dma_semaphore, #tpu.memory_space<semaphore_mem>>) src(%dma_wait3A_62 : memref<2048x128xf32, #tpu.memory_space<hbm>>) dst(%dma_wait3A_56 : memref<128x128xf32, #tpu.memory_space<vmem>>)
    %dma_wait3A_63 = arith.constant 2 : i32
    %dma_wait3A_64 = arith.constant 256 : i32
    %dma_wait3A_65 = arith.constant 0 : i32
    %dma_wait3A_66 = tpu.memref_slice %arg6[%dma_wait3A_64, %dma_wait3A_65] : memref<512x128xf32, #tpu.memory_space<vmem>> -> memref<128x128xf32, #tpu.memory_space<vmem>>
    %dma_wait3A_67 = arith.constant 0 : i32
    %dma_wait3A_68 = tpu.memref_slice %arg5[%dma_wait3A_63, %dma_wait3A_67] : memref<4x128xi32, #tpu.memory_space<vmem>> -> memref<1x128xi32, #tpu.memory_space<vmem>>
    %dma_wait3A_69 = tpu.memref_squeeze %dma_wait3A_68 : memref<1x128xi32, #tpu.memory_space<vmem>> -> memref<128xi32, #tpu.memory_space<vmem>>
    %dma_wait3A_70 = arith.constant 0 : i32
    %dma_wait3A_71 = arith.constant 0 : i32
    %dma_wait3A_72 = tpu.memref_slice %arg3[%dma_wait3A_70, %dma_wait3A_71] : memref<2048x128xf32, #tpu.memory_space<hbm>> -> memref<2048x128xf32, #tpu.memory_space<hbm>>
    tpu.wait_indirect_dma semaphore(%arg7 : memref<!tpu.dma_semaphore, #tpu.memory_space<semaphore_mem>>) src(%dma_wait3A_72 : memref<2048x128xf32, #tpu.memory_space<hbm>>) dst(%dma_wait3A_66 : memref<128x128xf32, #tpu.memory_space<vmem>>)
    %dma_wait3A_73 = arith.constant 3 : i32
    %dma_wait3A_74 = arith.constant 384 : i32
    %dma_wait3A_75 = arith.constant 0 : i32
    %dma_wait3A_76 = tpu.memref_slice %arg6[%dma_wait3A_74, %dma_wait3A_75] : memref<512x128xf32, #tpu.memory_space<vmem>> -> memref<128x128xf32, #tpu.memory_space<vmem>>
    %dma_wait3A_77 = arith.constant 0 : i32
    %dma_wait3A_78 = tpu.memref_slice %arg5[%dma_wait3A_73, %dma_wait3A_77] : memref<4x128xi32, #tpu.memory_space<vmem>> -> memref<1x128xi32, #tpu.memory_space<vmem>>
    %dma_wait3A_79 = tpu.memref_squeeze %dma_wait3A_78 : memref<1x128xi32, #tpu.memory_space<vmem>> -> memref<128xi32, #tpu.memory_space<vmem>>
    %dma_wait3A_80 = arith.constant 0 : i32
    %dma_wait3A_81 = arith.constant 0 : i32
    %dma_wait3A_82 = tpu.memref_slice %arg3[%dma_wait3A_80, %dma_wait3A_81] : memref<2048x128xf32, #tpu.memory_space<hbm>> -> memref<2048x128xf32, #tpu.memory_space<hbm>>
    tpu.wait_indirect_dma semaphore(%arg7 : memref<!tpu.dma_semaphore, #tpu.memory_space<semaphore_mem>>) src(%dma_wait3A_82 : memref<2048x128xf32, #tpu.memory_space<hbm>>) dst(%dma_wait3A_76 : memref<128x128xf32, #tpu.memory_space<vmem>>)
    %mul3A_83 = arith.constant 512 : i32
    %mul3A_84 = arith.muli %add3A, %mul3A_83 : i32
    "tpu.region"() ({
      %run_scoped3A = tpu.sem_alloc : memref<!tpu.dma_semaphore, #tpu.memory_space<semaphore_mem>>
      %dma_start3A_85 = arith.constant 0 : i32
      %dma_start3A_86 = tpu.memref_slice %arg4[%mul3A_84, %dma_start3A_85] : memref<16384x128xf32, #tpu.memory_space<hbm>> -> memref<512x128xf32, #tpu.memory_space<hbm>>
      %dma_start3A_87 = arith.constant 0 : i32
      %dma_start3A_88 = tpu.memref_slice %arg4[%mul3A_84, %dma_start3A_87] : memref<16384x128xf32, #tpu.memory_space<hbm>> -> memref<512x128xf32, #tpu.memory_space<hbm>>
      tpu.enqueue_dma source(%arg6 : memref<512x128xf32, #tpu.memory_space<vmem>>) target(%dma_start3A_88 : memref<512x128xf32, #tpu.memory_space<hbm>>) target_semaphore(%run_scoped3A : memref<!tpu.dma_semaphore, #tpu.memory_space<semaphore_mem>>)
      %dma_wait3A_89 = arith.constant 0 : i32
      %dma_wait3A_90 = tpu.memref_slice %arg4[%mul3A_84, %dma_wait3A_89] : memref<16384x128xf32, #tpu.memory_space<hbm>> -> memref<512x128xf32, #tpu.memory_space<hbm>>
      %dma_wait3A_91 = arith.constant 0 : i32
      %dma_wait3A_92 = tpu.memref_slice %arg4[%mul3A_84, %dma_wait3A_91] : memref<16384x128xf32, #tpu.memory_space<hbm>> -> memref<512x128xf32, #tpu.memory_space<hbm>>
      tpu.wait_dma2 semaphore(%run_scoped3A : memref<!tpu.dma_semaphore, #tpu.memory_space<semaphore_mem>>) src(%arg6 : memref<512x128xf32, #tpu.memory_space<vmem>>) dst(%dma_wait3A_92 : memref<512x128xf32, #tpu.memory_space<hbm>>)
      tpu.yield
    }) : () -> ()
    return
  }
}

#map = affine_map<(d0, d1) -> (0, 0)>
#map1 = affine_map<(d0, d1) -> (0, 0, 0)>
module attributes {stable_mosaic.version = 14 : i64} {
  func.func @_scatter(%arg0: i32, %arg1: i32, %arg2: memref<128x128xi32, #tpu.memory_space<hbm>>, %arg3: memref<16384x128xf32, #tpu.memory_space<hbm>>, %arg4: memref<2048x128xf32, #tpu.memory_space<hbm>>, %arg5: memref<2x2048x128xf32, #tpu.memory_space<hbm>>, %arg6: memref<4x128xi32, #tpu.memory_space<vmem>>, %arg7: memref<512x128xf32, #tpu.memory_space<vmem>>, %arg8: memref<2048x128xf32, #tpu.memory_space<vmem_shared>>) attributes {dimension_semantics = [#tpu.dimension_semantics<core_parallel>, #tpu.dimension_semantics<subcore_parallel>], iteration_bounds = array<i64: 2, 16>, scalar_prefetch = 0 : i64, scratch_operands = 3 : i64, tpu.core_type = #tpu.core_type<sc_vector_subcore>, window_params = [{transform_indices = #map}, {transform_indices = #map}, {transform_indices = #map}, {transform_indices = #map1}]} {
    %mul3A = arith.constant 2 : i32
    %mul3A_0 = arith.muli %arg1, %mul3A : i32
    %add3A = arith.addi %mul3A_0, %arg0 : i32
    %mul3A_1 = arith.constant 128 : i32
    %mul3A_2 = arith.muli %arg1, %mul3A_1 : i32
    "tpu.region"() ({
      %run_scoped3A_13 = tpu.sem_alloc : memref<!tpu.dma_semaphore, #tpu.memory_space<semaphore_mem>>
      %dma_start3A = arith.constant 0 : i32
      %dma_start3A_14 = tpu.memref_slice %arg8[%mul3A_2, %dma_start3A] : memref<2048x128xf32, #tpu.memory_space<vmem_shared>> -> memref<128x128xf32, #tpu.memory_space<vmem_shared>>
      %dma_start3A_15 = arith.constant 0 : i32
      %dma_start3A_16 = tpu.memref_slice %arg4[%mul3A_2, %dma_start3A_15] : memref<2048x128xf32, #tpu.memory_space<hbm>> -> memref<128x128xf32, #tpu.memory_space<hbm>>
      tpu.enqueue_dma source(%dma_start3A_16 : memref<128x128xf32, #tpu.memory_space<hbm>>) target(%dma_start3A_14 : memref<128x128xf32, #tpu.memory_space<vmem_shared>>) target_semaphore(%run_scoped3A_13 : memref<!tpu.dma_semaphore, #tpu.memory_space<semaphore_mem>>)
      %dma_wait3A = arith.constant 0 : i32
      %dma_wait3A_17 = tpu.memref_slice %arg8[%mul3A_2, %dma_wait3A] : memref<2048x128xf32, #tpu.memory_space<vmem_shared>> -> memref<128x128xf32, #tpu.memory_space<vmem_shared>>
      %dma_wait3A_18 = arith.constant 0 : i32
      %dma_wait3A_19 = tpu.memref_slice %arg4[%mul3A_2, %dma_wait3A_18] : memref<2048x128xf32, #tpu.memory_space<hbm>> -> memref<128x128xf32, #tpu.memory_space<hbm>>
      tpu.wait_dma2 semaphore(%run_scoped3A_13 : memref<!tpu.dma_semaphore, #tpu.memory_space<semaphore_mem>>) src(%dma_wait3A_19 : memref<128x128xf32, #tpu.memory_space<hbm>>) dst(%dma_wait3A_17 : memref<128x128xf32, #tpu.memory_space<vmem_shared>>)
      tpu.yield
    }) : () -> ()
    %mul3A_3 = arith.constant 4 : i32
    %mul3A_4 = arith.muli %add3A, %mul3A_3 : i32
    %add3A_5 = arith.constant 0 : i32
    %add3A_6 = arith.addi %add3A_5, %mul3A_4 : i32
    "tpu.region"() ({
      %run_scoped3A_13 = tpu.sem_alloc : memref<!tpu.dma_semaphore, #tpu.memory_space<semaphore_mem>>
      %dma_start3A = arith.constant 0 : i32
      %dma_start3A_14 = tpu.memref_slice %arg2[%add3A_6, %dma_start3A] : memref<128x128xi32, #tpu.memory_space<hbm>> -> memref<4x128xi32, #tpu.memory_space<hbm>>
      %dma_start3A_15 = arith.constant 0 : i32
      %dma_start3A_16 = tpu.memref_slice %arg2[%add3A_6, %dma_start3A_15] : memref<128x128xi32, #tpu.memory_space<hbm>> -> memref<4x128xi32, #tpu.memory_space<hbm>>
      tpu.enqueue_dma source(%dma_start3A_16 : memref<4x128xi32, #tpu.memory_space<hbm>>) target(%arg6 : memref<4x128xi32, #tpu.memory_space<vmem>>) target_semaphore(%run_scoped3A_13 : memref<!tpu.dma_semaphore, #tpu.memory_space<semaphore_mem>>)
      %dma_wait3A = arith.constant 0 : i32
      %dma_wait3A_17 = tpu.memref_slice %arg2[%add3A_6, %dma_wait3A] : memref<128x128xi32, #tpu.memory_space<hbm>> -> memref<4x128xi32, #tpu.memory_space<hbm>>
      %dma_wait3A_18 = arith.constant 0 : i32
      %dma_wait3A_19 = tpu.memref_slice %arg2[%add3A_6, %dma_wait3A_18] : memref<128x128xi32, #tpu.memory_space<hbm>> -> memref<4x128xi32, #tpu.memory_space<hbm>>
      tpu.wait_dma2 semaphore(%run_scoped3A_13 : memref<!tpu.dma_semaphore, #tpu.memory_space<semaphore_mem>>) src(%dma_wait3A_19 : memref<4x128xi32, #tpu.memory_space<hbm>>) dst(%arg6 : memref<4x128xi32, #tpu.memory_space<vmem>>)
      tpu.yield
    }) : () -> ()
    %mul3A_7 = arith.constant 512 : i32
    %mul3A_8 = arith.muli %add3A, %mul3A_7 : i32
    "tpu.region"() ({
      %run_scoped3A_13 = tpu.sem_alloc : memref<!tpu.dma_semaphore, #tpu.memory_space<semaphore_mem>>
      %dma_start3A = arith.constant 0 : i32
      %dma_start3A_14 = tpu.memref_slice %arg3[%mul3A_8, %dma_start3A] : memref<16384x128xf32, #tpu.memory_space<hbm>> -> memref<512x128xf32, #tpu.memory_space<hbm>>
      %dma_start3A_15 = arith.constant 0 : i32
      %dma_start3A_16 = tpu.memref_slice %arg3[%mul3A_8, %dma_start3A_15] : memref<16384x128xf32, #tpu.memory_space<hbm>> -> memref<512x128xf32, #tpu.memory_space<hbm>>
      tpu.enqueue_dma source(%dma_start3A_16 : memref<512x128xf32, #tpu.memory_space<hbm>>) target(%arg7 : memref<512x128xf32, #tpu.memory_space<vmem>>) target_semaphore(%run_scoped3A_13 : memref<!tpu.dma_semaphore, #tpu.memory_space<semaphore_mem>>)
      %dma_wait3A = arith.constant 0 : i32
      %dma_wait3A_17 = tpu.memref_slice %arg3[%mul3A_8, %dma_wait3A] : memref<16384x128xf32, #tpu.memory_space<hbm>> -> memref<512x128xf32, #tpu.memory_space<hbm>>
      %dma_wait3A_18 = arith.constant 0 : i32
      %dma_wait3A_19 = tpu.memref_slice %arg3[%mul3A_8, %dma_wait3A_18] : memref<16384x128xf32, #tpu.memory_space<hbm>> -> memref<512x128xf32, #tpu.memory_space<hbm>>
      tpu.wait_dma2 semaphore(%run_scoped3A_13 : memref<!tpu.dma_semaphore, #tpu.memory_space<semaphore_mem>>) src(%dma_wait3A_19 : memref<512x128xf32, #tpu.memory_space<hbm>>) dst(%arg7 : memref<512x128xf32, #tpu.memory_space<vmem>>)
      tpu.yield
    }) : () -> ()
    %barrier3A = arith.constant 0 : index
    tpu.barrier barrier_id(%barrier3A)
    %run_scoped3A = arith.constant 0 : i32
    "tpu.region"() ({
      %run_scoped3A_13 = tpu.sem_alloc : memref<!tpu.dma_semaphore, #tpu.memory_space<semaphore_mem>>
      %dma_start3A = arith.constant 0 : i32
      %dma_start3A_14 = arith.constant 0 : i32
      %dma_start3A_15 = tpu.memref_slice %arg7[%dma_start3A, %dma_start3A_14] : memref<512x128xf32, #tpu.memory_space<vmem>> -> memref<128x128xf32, #tpu.memory_space<vmem>>
      %dma_start3A_16 = arith.constant 0 : i32
      %dma_start3A_17 = tpu.memref_slice %arg6[%run_scoped3A, %dma_start3A_16] : memref<4x128xi32, #tpu.memory_space<vmem>> -> memref<1x128xi32, #tpu.memory_space<vmem>>
      %dma_start3A_18 = tpu.memref_squeeze %dma_start3A_17 : memref<1x128xi32, #tpu.memory_space<vmem>> -> memref<128xi32, #tpu.memory_space<vmem>>
      %dma_start3A_19 = arith.constant 0 : i32
      %dma_start3A_20 = arith.constant 0 : i32
      %dma_start3A_21 = tpu.memref_slice %arg8[%dma_start3A_19, %dma_start3A_20] : memref<2048x128xf32, #tpu.memory_space<vmem_shared>> -> memref<2048x128xf32, #tpu.memory_space<vmem_shared>>
      tpu.enqueue_indirect_dma source(%dma_start3A_15 : memref<128x128xf32, #tpu.memory_space<vmem>>) target(%dma_start3A_21 : memref<2048x128xf32, #tpu.memory_space<vmem_shared>>) offsets(%dma_start3A_18 : memref<128xi32, #tpu.memory_space<vmem>>) semaphore(%run_scoped3A_13 : memref<!tpu.dma_semaphore, #tpu.memory_space<semaphore_mem>>) {add = true}
      %dma_wait3A = arith.constant 0 : i32
      %dma_wait3A_22 = arith.constant 0 : i32
      %dma_wait3A_23 = tpu.memref_slice %arg7[%dma_wait3A, %dma_wait3A_22] : memref<512x128xf32, #tpu.memory_space<vmem>> -> memref<128x128xf32, #tpu.memory_space<vmem>>
      %dma_wait3A_24 = arith.constant 0 : i32
      %dma_wait3A_25 = tpu.memref_slice %arg6[%run_scoped3A, %dma_wait3A_24] : memref<4x128xi32, #tpu.memory_space<vmem>> -> memref<1x128xi32, #tpu.memory_space<vmem>>
      %dma_wait3A_26 = tpu.memref_squeeze %dma_wait3A_25 : memref<1x128xi32, #tpu.memory_space<vmem>> -> memref<128xi32, #tpu.memory_space<vmem>>
      %dma_wait3A_27 = arith.constant 0 : i32
      %dma_wait3A_28 = arith.constant 0 : i32
      %dma_wait3A_29 = tpu.memref_slice %arg8[%dma_wait3A_27, %dma_wait3A_28] : memref<2048x128xf32, #tpu.memory_space<vmem_shared>> -> memref<2048x128xf32, #tpu.memory_space<vmem_shared>>
      tpu.wait_indirect_dma semaphore(%run_scoped3A_13 : memref<!tpu.dma_semaphore, #tpu.memory_space<semaphore_mem>>) src(%dma_wait3A_23 : memref<128x128xf32, #tpu.memory_space<vmem>>) dst(%dma_wait3A_29 : memref<2048x128xf32, #tpu.memory_space<vmem_shared>>)
      tpu.yield
    }) : () -> ()
    %run_scoped3A_9 = arith.constant 1 : i32
    "tpu.region"() ({
      %run_scoped3A_13 = tpu.sem_alloc : memref<!tpu.dma_semaphore, #tpu.memory_space<semaphore_mem>>
      %dma_start3A = arith.constant 128 : i32
      %dma_start3A_14 = arith.constant 0 : i32
      %dma_start3A_15 = tpu.memref_slice %arg7[%dma_start3A, %dma_start3A_14] : memref<512x128xf32, #tpu.memory_space<vmem>> -> memref<128x128xf32, #tpu.memory_space<vmem>>
      %dma_start3A_16 = arith.constant 0 : i32
      %dma_start3A_17 = tpu.memref_slice %arg6[%run_scoped3A_9, %dma_start3A_16] : memref<4x128xi32, #tpu.memory_space<vmem>> -> memref<1x128xi32, #tpu.memory_space<vmem>>
      %dma_start3A_18 = tpu.memref_squeeze %dma_start3A_17 : memref<1x128xi32, #tpu.memory_space<vmem>> -> memref<128xi32, #tpu.memory_space<vmem>>
      %dma_start3A_19 = arith.constant 0 : i32
      %dma_start3A_20 = arith.constant 0 : i32
      %dma_start3A_21 = tpu.memref_slice %arg8[%dma_start3A_19, %dma_start3A_20] : memref<2048x128xf32, #tpu.memory_space<vmem_shared>> -> memref<2048x128xf32, #tpu.memory_space<vmem_shared>>
      tpu.enqueue_indirect_dma source(%dma_start3A_15 : memref<128x128xf32, #tpu.memory_space<vmem>>) target(%dma_start3A_21 : memref<2048x128xf32, #tpu.memory_space<vmem_shared>>) offsets(%dma_start3A_18 : memref<128xi32, #tpu.memory_space<vmem>>) semaphore(%run_scoped3A_13 : memref<!tpu.dma_semaphore, #tpu.memory_space<semaphore_mem>>) {add = true}
      %dma_wait3A = arith.constant 128 : i32
      %dma_wait3A_22 = arith.constant 0 : i32
      %dma_wait3A_23 = tpu.memref_slice %arg7[%dma_wait3A, %dma_wait3A_22] : memref<512x128xf32, #tpu.memory_space<vmem>> -> memref<128x128xf32, #tpu.memory_space<vmem>>
      %dma_wait3A_24 = arith.constant 0 : i32
      %dma_wait3A_25 = tpu.memref_slice %arg6[%run_scoped3A_9, %dma_wait3A_24] : memref<4x128xi32, #tpu.memory_space<vmem>> -> memref<1x128xi32, #tpu.memory_space<vmem>>
      %dma_wait3A_26 = tpu.memref_squeeze %dma_wait3A_25 : memref<1x128xi32, #tpu.memory_space<vmem>> -> memref<128xi32, #tpu.memory_space<vmem>>
      %dma_wait3A_27 = arith.constant 0 : i32
      %dma_wait3A_28 = arith.constant 0 : i32
      %dma_wait3A_29 = tpu.memref_slice %arg8[%dma_wait3A_27, %dma_wait3A_28] : memref<2048x128xf32, #tpu.memory_space<vmem_shared>> -> memref<2048x128xf32, #tpu.memory_space<vmem_shared>>
      tpu.wait_indirect_dma semaphore(%run_scoped3A_13 : memref<!tpu.dma_semaphore, #tpu.memory_space<semaphore_mem>>) src(%dma_wait3A_23 : memref<128x128xf32, #tpu.memory_space<vmem>>) dst(%dma_wait3A_29 : memref<2048x128xf32, #tpu.memory_space<vmem_shared>>)
      tpu.yield
    }) : () -> ()
    %run_scoped3A_10 = arith.constant 2 : i32
    "tpu.region"() ({
      %run_scoped3A_13 = tpu.sem_alloc : memref<!tpu.dma_semaphore, #tpu.memory_space<semaphore_mem>>
      %dma_start3A = arith.constant 256 : i32
      %dma_start3A_14 = arith.constant 0 : i32
      %dma_start3A_15 = tpu.memref_slice %arg7[%dma_start3A, %dma_start3A_14] : memref<512x128xf32, #tpu.memory_space<vmem>> -> memref<128x128xf32, #tpu.memory_space<vmem>>
      %dma_start3A_16 = arith.constant 0 : i32
      %dma_start3A_17 = tpu.memref_slice %arg6[%run_scoped3A_10, %dma_start3A_16] : memref<4x128xi32, #tpu.memory_space<vmem>> -> memref<1x128xi32, #tpu.memory_space<vmem>>
      %dma_start3A_18 = tpu.memref_squeeze %dma_start3A_17 : memref<1x128xi32, #tpu.memory_space<vmem>> -> memref<128xi32, #tpu.memory_space<vmem>>
      %dma_start3A_19 = arith.constant 0 : i32
      %dma_start3A_20 = arith.constant 0 : i32
      %dma_start3A_21 = tpu.memref_slice %arg8[%dma_start3A_19, %dma_start3A_20] : memref<2048x128xf32, #tpu.memory_space<vmem_shared>> -> memref<2048x128xf32, #tpu.memory_space<vmem_shared>>
      tpu.enqueue_indirect_dma source(%dma_start3A_15 : memref<128x128xf32, #tpu.memory_space<vmem>>) target(%dma_start3A_21 : memref<2048x128xf32, #tpu.memory_space<vmem_shared>>) offsets(%dma_start3A_18 : memref<128xi32, #tpu.memory_space<vmem>>) semaphore(%run_scoped3A_13 : memref<!tpu.dma_semaphore, #tpu.memory_space<semaphore_mem>>) {add = true}
      %dma_wait3A = arith.constant 256 : i32
      %dma_wait3A_22 = arith.constant 0 : i32
      %dma_wait3A_23 = tpu.memref_slice %arg7[%dma_wait3A, %dma_wait3A_22] : memref<512x128xf32, #tpu.memory_space<vmem>> -> memref<128x128xf32, #tpu.memory_space<vmem>>
      %dma_wait3A_24 = arith.constant 0 : i32
      %dma_wait3A_25 = tpu.memref_slice %arg6[%run_scoped3A_10, %dma_wait3A_24] : memref<4x128xi32, #tpu.memory_space<vmem>> -> memref<1x128xi32, #tpu.memory_space<vmem>>
      %dma_wait3A_26 = tpu.memref_squeeze %dma_wait3A_25 : memref<1x128xi32, #tpu.memory_space<vmem>> -> memref<128xi32, #tpu.memory_space<vmem>>
      %dma_wait3A_27 = arith.constant 0 : i32
      %dma_wait3A_28 = arith.constant 0 : i32
      %dma_wait3A_29 = tpu.memref_slice %arg8[%dma_wait3A_27, %dma_wait3A_28] : memref<2048x128xf32, #tpu.memory_space<vmem_shared>> -> memref<2048x128xf32, #tpu.memory_space<vmem_shared>>
      tpu.wait_indirect_dma semaphore(%run_scoped3A_13 : memref<!tpu.dma_semaphore, #tpu.memory_space<semaphore_mem>>) src(%dma_wait3A_23 : memref<128x128xf32, #tpu.memory_space<vmem>>) dst(%dma_wait3A_29 : memref<2048x128xf32, #tpu.memory_space<vmem_shared>>)
      tpu.yield
    }) : () -> ()
    %run_scoped3A_11 = arith.constant 3 : i32
    "tpu.region"() ({
      %run_scoped3A_13 = tpu.sem_alloc : memref<!tpu.dma_semaphore, #tpu.memory_space<semaphore_mem>>
      %dma_start3A = arith.constant 384 : i32
      %dma_start3A_14 = arith.constant 0 : i32
      %dma_start3A_15 = tpu.memref_slice %arg7[%dma_start3A, %dma_start3A_14] : memref<512x128xf32, #tpu.memory_space<vmem>> -> memref<128x128xf32, #tpu.memory_space<vmem>>
      %dma_start3A_16 = arith.constant 0 : i32
      %dma_start3A_17 = tpu.memref_slice %arg6[%run_scoped3A_11, %dma_start3A_16] : memref<4x128xi32, #tpu.memory_space<vmem>> -> memref<1x128xi32, #tpu.memory_space<vmem>>
      %dma_start3A_18 = tpu.memref_squeeze %dma_start3A_17 : memref<1x128xi32, #tpu.memory_space<vmem>> -> memref<128xi32, #tpu.memory_space<vmem>>
      %dma_start3A_19 = arith.constant 0 : i32
      %dma_start3A_20 = arith.constant 0 : i32
      %dma_start3A_21 = tpu.memref_slice %arg8[%dma_start3A_19, %dma_start3A_20] : memref<2048x128xf32, #tpu.memory_space<vmem_shared>> -> memref<2048x128xf32, #tpu.memory_space<vmem_shared>>
      tpu.enqueue_indirect_dma source(%dma_start3A_15 : memref<128x128xf32, #tpu.memory_space<vmem>>) target(%dma_start3A_21 : memref<2048x128xf32, #tpu.memory_space<vmem_shared>>) offsets(%dma_start3A_18 : memref<128xi32, #tpu.memory_space<vmem>>) semaphore(%run_scoped3A_13 : memref<!tpu.dma_semaphore, #tpu.memory_space<semaphore_mem>>) {add = true}
      %dma_wait3A = arith.constant 384 : i32
      %dma_wait3A_22 = arith.constant 0 : i32
      %dma_wait3A_23 = tpu.memref_slice %arg7[%dma_wait3A, %dma_wait3A_22] : memref<512x128xf32, #tpu.memory_space<vmem>> -> memref<128x128xf32, #tpu.memory_space<vmem>>
      %dma_wait3A_24 = arith.constant 0 : i32
      %dma_wait3A_25 = tpu.memref_slice %arg6[%run_scoped3A_11, %dma_wait3A_24] : memref<4x128xi32, #tpu.memory_space<vmem>> -> memref<1x128xi32, #tpu.memory_space<vmem>>
      %dma_wait3A_26 = tpu.memref_squeeze %dma_wait3A_25 : memref<1x128xi32, #tpu.memory_space<vmem>> -> memref<128xi32, #tpu.memory_space<vmem>>
      %dma_wait3A_27 = arith.constant 0 : i32
      %dma_wait3A_28 = arith.constant 0 : i32
      %dma_wait3A_29 = tpu.memref_slice %arg8[%dma_wait3A_27, %dma_wait3A_28] : memref<2048x128xf32, #tpu.memory_space<vmem_shared>> -> memref<2048x128xf32, #tpu.memory_space<vmem_shared>>
      tpu.wait_indirect_dma semaphore(%run_scoped3A_13 : memref<!tpu.dma_semaphore, #tpu.memory_space<semaphore_mem>>) src(%dma_wait3A_23 : memref<128x128xf32, #tpu.memory_space<vmem>>) dst(%dma_wait3A_29 : memref<2048x128xf32, #tpu.memory_space<vmem_shared>>)
      tpu.yield
    }) : () -> ()
    %barrier3A_12 = arith.constant 0 : index
    tpu.barrier barrier_id(%barrier3A_12)
    "tpu.region"() ({
      %run_scoped3A_13 = tpu.sem_alloc : memref<!tpu.dma_semaphore, #tpu.memory_space<semaphore_mem>>
      %dma_start3A = arith.constant 0 : i32
      %dma_start3A_14 = tpu.memref_slice %arg5[%arg0, %mul3A_2, %dma_start3A] : memref<2x2048x128xf32, #tpu.memory_space<hbm>> -> memref<1x128x128xf32, #tpu.memory_space<hbm>>
      %dma_start3A_15 = tpu.memref_squeeze %dma_start3A_14 : memref<1x128x128xf32, #tpu.memory_space<hbm>> -> memref<128x128xf32, #tpu.memory_space<hbm>>
      %dma_start3A_16 = arith.constant 0 : i32
      %dma_start3A_17 = tpu.memref_slice %arg8[%mul3A_2, %dma_start3A_16] : memref<2048x128xf32, #tpu.memory_space<vmem_shared>> -> memref<128x128xf32, #tpu.memory_space<vmem_shared>>
      tpu.enqueue_dma source(%dma_start3A_17 : memref<128x128xf32, #tpu.memory_space<vmem_shared>>) target(%dma_start3A_15 : memref<128x128xf32, #tpu.memory_space<hbm>>) target_semaphore(%run_scoped3A_13 : memref<!tpu.dma_semaphore, #tpu.memory_space<semaphore_mem>>)
      %dma_wait3A = arith.constant 0 : i32
      %dma_wait3A_18 = tpu.memref_slice %arg5[%arg0, %mul3A_2, %dma_wait3A] : memref<2x2048x128xf32, #tpu.memory_space<hbm>> -> memref<1x128x128xf32, #tpu.memory_space<hbm>>
      %dma_wait3A_19 = tpu.memref_squeeze %dma_wait3A_18 : memref<1x128x128xf32, #tpu.memory_space<hbm>> -> memref<128x128xf32, #tpu.memory_space<hbm>>
      %dma_wait3A_20 = arith.constant 0 : i32
      %dma_wait3A_21 = tpu.memref_slice %arg8[%mul3A_2, %dma_wait3A_20] : memref<2048x128xf32, #tpu.memory_space<vmem_shared>> -> memref<128x128xf32, #tpu.memory_space<vmem_shared>>
      tpu.wait_dma2 semaphore(%run_scoped3A_13 : memref<!tpu.dma_semaphore, #tpu.memory_space<semaphore_mem>>) src(%dma_wait3A_21 : memref<128x128xf32, #tpu.memory_space<vmem_shared>>) dst(%dma_wait3A_19 : memref<128x128xf32, #tpu.memory_space<hbm>>)
      tpu.yield
    }) : () -> ()
    return
  }
}

module attributes {stable_mosaic.version = 14 : i64} {
  func.func @body(%arg0: memref<2048x128xf32, #tpu.memory_space<vmem>>, %arg1: memref<128x128xf32, #tpu.memory_space<vmem>>, %arg2: memref<32x32xf32, #tpu.memory_space<vmem>>, %arg3: memref<1x32xf32, #tpu.memory_space<vmem>>, %arg4: memref<32x32xf32, #tpu.memory_space<vmem>>, %arg5: memref<128x128xi32, #tpu.memory_space<vmem>>, %arg6: memref<128x128xi32, #tpu.memory_space<vmem>>, %arg7: memref<2048x128xf32, #tpu.memory_space<vmem>>, %arg8: memref<128x128xi32, #tpu.memory_space<vmem>>, %arg9: memref<128x128xi32, #tpu.memory_space<vmem>>) attributes {dimension_semantics = [], scalar_prefetch = 0 : i64, scratch_operands = 0 : i64, tpu.core_type = #tpu.core_type<tc>} {
    %get3A = arith.constant 0 : index
    %get3A_0 = arith.constant 0 : index
    %get3A_1 = vector.load %arg0[%get3A, %get3A_0] : memref<2048x128xf32, #tpu.memory_space<vmem>>, vector<2048x128xf32>
    %get3A_2 = arith.constant 0 : index
    %get3A_3 = arith.constant 0 : index
    %get3A_4 = vector.load %arg1[%get3A_2, %get3A_3] : memref<128x128xf32, #tpu.memory_space<vmem>>, vector<128x128xf32>
    %dot_general3A = arith.constant dense<0.000000e+00> : vector<2048x128xf32>
    %dot_general3A_5 = tpu.matmul %get3A_1, %get3A_4, %dot_general3A {dimension_numbers = #tpu.dot_dimension_numbers<[1], [0], [0], [1], [0, 0, 1, 1], [], []>, transpose_lhs_hint = false} : vector<2048x128xf32>, vector<128x128xf32>, vector<2048x128xf32> -> vector<2048x128xf32>
    %get3A_6 = arith.constant 0 : index
    %get3A_7 = arith.constant 0 : index
    %get3A_8 = vector.load %arg2[%get3A_6, %get3A_7] : memref<32x32xf32, #tpu.memory_space<vmem>>, vector<32x32xf32>
    %get3A_9 = arith.constant 0 : index
    %get3A_10 = arith.constant 0 : index
    %get3A_11 = vector.load %arg3[%get3A_9, %get3A_10] : memref<1x32xf32, #tpu.memory_space<vmem>>, vector<1x32xf32>
    %get3A_12 = arith.constant 0 : index
    %get3A_13 = arith.constant 0 : index
    %get3A_14 = vector.load %arg4[%get3A_12, %get3A_13] : memref<32x32xf32, #tpu.memory_space<vmem>>, vector<32x32xf32>
    %slice3A = vector.extract_strided_slice %dot_general3A_5 {offsets = [0, 0], sizes = [2048, 32], strides = [1, 1]} : vector<2048x128xf32> to vector<2048x32xf32>
    %dot_general3A_15 = arith.constant dense<0.000000e+00> : vector<2048x32xf32>
    %dot_general3A_16 = tpu.matmul %slice3A, %get3A_8, %dot_general3A_15 {dimension_numbers = #tpu.dot_dimension_numbers<[1], [0], [0], [1], [0, 0, 1, 1], [], []>, transpose_lhs_hint = false} : vector<2048x32xf32>, vector<32x32xf32>, vector<2048x32xf32> -> vector<2048x32xf32>
    %mul3A = arith.constant 0.176776692 : f32
    %mul3A_17 = vector.broadcast %mul3A : f32 to vector<2048x32xf32>
    %mul3A_18 = arith.mulf %dot_general3A_16, %mul3A_17 : vector<2048x32xf32>
    %add3A = vector.broadcast %get3A_11 : vector<1x32xf32> to vector<2048x32xf32>
    %add3A_19 = arith.addf %mul3A_18, %add3A : vector<2048x32xf32>
    %slice3A_20 = vector.extract_strided_slice %dot_general3A_5 {offsets = [0, 32], sizes = [2048, 32], strides = [1, 1]} : vector<2048x128xf32> to vector<2048x32xf32>
    %dot_general3A_21 = arith.constant dense<0.000000e+00> : vector<2048x32xf32>
    %dot_general3A_22 = tpu.matmul %slice3A_20, %get3A_14, %dot_general3A_21 {dimension_numbers = #tpu.dot_dimension_numbers<[1], [0], [0], [1], [0, 0, 1, 1], [], []>, transpose_lhs_hint = false} : vector<2048x32xf32>, vector<32x32xf32>, vector<2048x32xf32> -> vector<2048x32xf32>
    %mul3A_23 = arith.constant 0.176776692 : f32
    %mul3A_24 = vector.broadcast %mul3A_23 : f32 to vector<2048x32xf32>
    %mul3A_25 = arith.mulf %dot_general3A_22, %mul3A_24 : vector<2048x32xf32>
    %slice3A_26 = vector.extract_strided_slice %dot_general3A_5 {offsets = [0, 64], sizes = [2048, 32], strides = [1, 1]} : vector<2048x128xf32> to vector<2048x32xf32>
    %dot_general3A_27 = arith.constant dense<0.000000e+00> : vector<2048x32xf32>
    %dot_general3A_28 = tpu.matmul %slice3A_26, %get3A_14, %dot_general3A_27 {dimension_numbers = #tpu.dot_dimension_numbers<[1], [0], [0], [1], [0, 0, 1, 1], [], []>, transpose_lhs_hint = false} : vector<2048x32xf32>, vector<32x32xf32>, vector<2048x32xf32> -> vector<2048x32xf32>
    %mul3A_29 = arith.constant 0.176776692 : f32
    %mul3A_30 = vector.broadcast %mul3A_29 : f32 to vector<2048x32xf32>
    %mul3A_31 = arith.mulf %dot_general3A_28, %mul3A_30 : vector<2048x32xf32>
    %slice3A_32 = vector.extract_strided_slice %dot_general3A_5 {offsets = [0, 96], sizes = [2048, 32], strides = [1, 1]} : vector<2048x128xf32> to vector<2048x32xf32>
    %dot_general3A_33 = arith.constant dense<0.000000e+00> : vector<2048x32xf32>
    %dot_general3A_34 = tpu.matmul %slice3A_32, %get3A_14, %dot_general3A_33 {dimension_numbers = #tpu.dot_dimension_numbers<[1], [0], [0], [1], [0, 0, 1, 1], [], []>, transpose_lhs_hint = false} : vector<2048x32xf32>, vector<32x32xf32>, vector<2048x32xf32> -> vector<2048x32xf32>
    %mul3A_35 = arith.constant 0.176776692 : f32
    %mul3A_36 = vector.broadcast %mul3A_35 : f32 to vector<2048x32xf32>
    %mul3A_37 = arith.mulf %dot_general3A_34, %mul3A_36 : vector<2048x32xf32>
    %concatenate3A = tpu.concatenate %add3A_19, %mul3A_25, %mul3A_31, %mul3A_37 in 1 : vector<2048x32xf32>, vector<2048x32xf32>, vector<2048x32xf32>, vector<2048x32xf32> -> vector<2048x128xf32>
    %swap3A = arith.constant 0 : index
    %swap3A_38 = arith.constant 0 : index
    %swap3A_39 = vector.load %arg7[%swap3A, %swap3A_38] : memref<2048x128xf32, #tpu.memory_space<vmem>>, vector<2048x128xf32>
    tpu.vector_store %arg7[%swap3A, %swap3A_38], %concatenate3A {strides = array<i32>} : memref<2048x128xf32, #tpu.memory_space<vmem>>, vector<2048x128xf32>,
    %iota3A = tpu.iota {dimensions = array<i32: 0>} : vector<128x128xi32>
    %jit3A = arith.constant 32 : i32
    %div3A = vector.broadcast %jit3A : i32 to vector<128x128xi32>
    %div3A_40 = arith.divsi %iota3A, %div3A : vector<128x128xi32>
    %sign3A = arith.constant 0 : i32
    %sign3A_41 = vector.broadcast %sign3A : i32 to vector<128x128xi32>
    %sign3A_42 = arith.cmpi sgt, %iota3A, %sign3A_41 : vector<128x128xi32>
    %sign3A_43 = arith.extui %sign3A_42 : vector<128x128xi1> to vector<128x128xi32>
    %sign3A_44 = arith.constant 0 : i32
    %sign3A_45 = vector.broadcast %sign3A_44 : i32 to vector<128x128xi32>
    %sign3A_46 = arith.cmpi slt, %iota3A, %sign3A_45 : vector<128x128xi32>
    %sign3A_47 = arith.extui %sign3A_46 : vector<128x128xi1> to vector<128x128xi32>
    %sign3A_48 = arith.subi %sign3A_43, %sign3A_47 : vector<128x128xi32>
    %sign3A_49 = arith.constant 0 : i32
    %sign3A_50 = arith.cmpi sgt, %jit3A, %sign3A_49 : i32
    %sign3A_51 = arith.extui %sign3A_50 : i1 to i32
    %sign3A_52 = arith.constant 0 : i32
    %sign3A_53 = arith.cmpi slt, %jit3A, %sign3A_52 : i32
    %sign3A_54 = arith.extui %sign3A_53 : i1 to i32
    %sign3A_55 = arith.subi %sign3A_51, %sign3A_54 : i32
    %ne3A = vector.broadcast %sign3A_55 : i32 to vector<128x128xi32>
    %ne3A_56 = arith.cmpi ne, %sign3A_48, %ne3A : vector<128x128xi32>
    %rem3A = vector.broadcast %jit3A : i32 to vector<128x128xi32>
    %rem3A_57 = arith.remsi %iota3A, %rem3A : vector<128x128xi32>
    %ne3A_58 = arith.constant 0 : i32
    %ne3A_59 = vector.broadcast %ne3A_58 : i32 to vector<128x128xi32>
    %ne3A_60 = arith.cmpi ne, %rem3A_57, %ne3A_59 : vector<128x128xi32>
    %and3A = arith.andi %ne3A_56, %ne3A_60 : vector<128x128xi1>
    %sub3A = arith.constant 1 : i32
    %sub3A_61 = vector.broadcast %sub3A : i32 to vector<128x128xi32>
    %sub3A_62 = arith.subi %div3A_40, %sub3A_61 : vector<128x128xi32>
    %select_n3A = arith.select %and3A, %sub3A_62, %div3A_40 : vector<128x128xi1>, vector<128x128xi32>
    %mul3A_63 = arith.constant 512 : i32
    %mul3A_64 = vector.broadcast %mul3A_63 : i32 to vector<128x128xi32>
    %mul3A_65 = arith.muli %select_n3A, %mul3A_64 : vector<128x128xi32>
    %get3A_66 = arith.constant 0 : index
    %get3A_67 = arith.constant 0 : index
    %get3A_68 = vector.load %arg5[%get3A_66, %get3A_67] : memref<128x128xi32, #tpu.memory_space<vmem>>, vector<128x128xi32>
    %add3A_69 = arith.addi %get3A_68, %mul3A_65 : vector<128x128xi32>
    %swap3A_70 = arith.constant 0 : index
    %swap3A_71 = arith.constant 0 : index
    %swap3A_72 = vector.load %arg8[%swap3A_70, %swap3A_71] : memref<128x128xi32, #tpu.memory_space<vmem>>, vector<128x128xi32>
    tpu.vector_store %arg8[%swap3A_70, %swap3A_71], %add3A_69 {strides = array<i32>} : memref<128x128xi32, #tpu.memory_space<vmem>>, vector<128x128xi32>,
    %get3A_73 = arith.constant 0 : index
    %get3A_74 = arith.constant 0 : index
    %get3A_75 = vector.load %arg6[%get3A_73, %get3A_74] : memref<128x128xi32, #tpu.memory_space<vmem>>, vector<128x128xi32>
    %add3A_76 = arith.addi %get3A_75, %mul3A_65 : vector<128x128xi32>
    %swap3A_77 = arith.constant 0 : index
    %swap3A_78 = arith.constant 0 : index
    %swap3A_79 = vector.load %arg9[%swap3A_77, %swap3A_78] : memref<128x128xi32, #tpu.memory_space<vmem>>, vector<128x128xi32>
    tpu.vector_store %arg9[%swap3A_77, %swap3A_78], %add3A_76 {strides = array<i32>} : memref<128x128xi32, #tpu.memory_space<vmem>>, vector<128x128xi32>,
    return
  }
}

module attributes {stable_mosaic.version = 14 : i64} {
  func.func @_msg_body(%arg0: i32, %arg1: memref<3x1024xf32, #tpu.memory_space<vmem>>, %arg2: memref<1024x128xf32, #tpu.memory_space<vmem>>, %arg3: memref<1x32xf32, #tpu.memory_space<vmem>>, %arg4: memref<256x4096xbf16, #tpu.memory_space<vmem>>, %arg5: memref<32x1024xf32, #tpu.memory_space<vmem>>, %arg6: memref<1024x128xf32, #tpu.memory_space<vmem>>) attributes {dimension_semantics = [#tpu.dimension_semantics<arbitrary>], iteration_bounds = array<i64: 16>, scalar_prefetch = 0 : i64, scratch_operands = 0 : i64, tpu.core_type = #tpu.core_type<tc>, window_params = [{transform_indices = @transform_0, window_bounds = array<i64: 3, 1024>}, {transform_indices = @transform_1, window_bounds = array<i64: 1024, 128>}, {pipeline_mode = #tpu.pipeline_mode<synchronous>, transform_indices = @transform_2, window_bounds = array<i64: 1, 32>}, {pipeline_mode = #tpu.pipeline_mode<synchronous>, transform_indices = @transform_3, window_bounds = array<i64: 256, 4096>}, {pipeline_mode = #tpu.pipeline_mode<synchronous>, transform_indices = @transform_4, window_bounds = array<i64: 32, 1024>}, {transform_indices = @transform_5, window_bounds = array<i64: 1024, 128>}]} {
    %get3A = arith.constant 0 : index
    %get3A_0 = arith.constant 0 : index
    %get3A_1 = vector.load %arg1[%get3A, %get3A_0] : memref<3x1024xf32, #tpu.memory_space<vmem>>, vector<3x1024xf32>
    %slice3A = vector.extract_strided_slice %get3A_1 {offsets = [0, 0], sizes = [1, 1024], strides = [1, 1]} : vector<3x1024xf32> to vector<1x1024xf32>
    %slice3A_2 = vector.extract_strided_slice %get3A_1 {offsets = [1, 0], sizes = [1, 1024], strides = [1, 1]} : vector<3x1024xf32> to vector<1x1024xf32>
    %slice3A_3 = vector.extract_strided_slice %get3A_1 {offsets = [2, 0], sizes = [1, 1024], strides = [1, 1]} : vector<3x1024xf32> to vector<1x1024xf32>
    %mul3A = arith.mulf %slice3A, %slice3A : vector<1x1024xf32>
    %mul3A_4 = arith.mulf %slice3A_2, %slice3A_2 : vector<1x1024xf32>
    %add3A = arith.addf %mul3A, %mul3A_4 : vector<1x1024xf32>
    %mul3A_5 = arith.mulf %slice3A_3, %slice3A_3 : vector<1x1024xf32>
    %add3A_6 = arith.addf %add3A, %mul3A_5 : vector<1x1024xf32>
    %sqrt3A = math.sqrt %add3A_6 : vector<1x1024xf32>
    %add3A_7 = arith.constant 9.99999993E-9 : f32
    %add3A_8 = vector.broadcast %add3A_7 : f32 to vector<1x1024xf32>
    %add3A_9 = arith.addf %sqrt3A, %add3A_8 : vector<1x1024xf32>
    %div3A = arith.constant 1.000000e+00 : f32
    %div3A_10 = vector.broadcast %div3A : f32 to vector<1x1024xf32>
    %div3A_11 = arith.divf %div3A_10, %add3A_9 : vector<1x1024xf32>
    %mul3A_12 = arith.constant 1.73205078 : f32
    %mul3A_13 = vector.broadcast %mul3A_12 : f32 to vector<1x1024xf32>
    %mul3A_14 = arith.mulf %mul3A_13, %slice3A : vector<1x1024xf32>
    %mul3A_15 = arith.mulf %mul3A_14, %div3A_11 : vector<1x1024xf32>
    %mul3A_16 = arith.constant 1.73205078 : f32
    %mul3A_17 = vector.broadcast %mul3A_16 : f32 to vector<1x1024xf32>
    %mul3A_18 = arith.mulf %mul3A_17, %slice3A_2 : vector<1x1024xf32>
    %mul3A_19 = arith.mulf %mul3A_18, %div3A_11 : vector<1x1024xf32>
    %mul3A_20 = arith.constant 1.73205078 : f32
    %mul3A_21 = vector.broadcast %mul3A_20 : f32 to vector<1x1024xf32>
    %mul3A_22 = arith.mulf %mul3A_21, %slice3A_3 : vector<1x1024xf32>
    %mul3A_23 = arith.mulf %mul3A_22, %div3A_11 : vector<1x1024xf32>
    %concatenate3A = tpu.concatenate %mul3A_15, %mul3A_19, %mul3A_23, %add3A_9 in 0 : vector<1x1024xf32>, vector<1x1024xf32>, vector<1x1024xf32>, vector<1x1024xf32> -> vector<4x1024xf32>
    %transpose3A = tpu.transpose %concatenate3A, [1, 0] : vector<4x1024xf32> -> vector<1024x4xf32>
    %slice3A_24 = vector.extract_strided_slice %transpose3A {offsets = [0, 0], sizes = [1024, 1], strides = [1, 1]} : vector<1024x4xf32> to vector<1024x1xf32>
    %slice3A_25 = vector.extract_strided_slice %transpose3A {offsets = [0, 1], sizes = [1024, 1], strides = [1, 1]} : vector<1024x4xf32> to vector<1024x1xf32>
    %slice3A_26 = vector.extract_strided_slice %transpose3A {offsets = [0, 2], sizes = [1024, 1], strides = [1, 1]} : vector<1024x4xf32> to vector<1024x1xf32>
    %slice3A_27 = vector.extract_strided_slice %transpose3A {offsets = [0, 3], sizes = [1024, 1], strides = [1, 1]} : vector<1024x4xf32> to vector<1024x1xf32>
    %get3A_28 = arith.constant 0 : index
    %get3A_29 = arith.constant 0 : index
    %get3A_30 = vector.load %arg3[%get3A_28, %get3A_29] : memref<1x32xf32, #tpu.memory_space<vmem>>, vector<1x32xf32>
    %mul3A_31 = vector.broadcast %slice3A_27 : vector<1024x1xf32> to vector<1024x32xf32>
    %mul3A_32 = vector.broadcast %get3A_30 : vector<1x32xf32> to vector<1024x32xf32>
    %mul3A_33 = arith.mulf %mul3A_31, %mul3A_32 : vector<1024x32xf32>
    %logistic3A = arith.negf %mul3A_33 : vector<1024x32xf32>
    %logistic3A_34 = math.exp %logistic3A : vector<1024x32xf32>
    %logistic3A_35 = arith.constant 1.000000e+00 : f32
    %logistic3A_36 = vector.broadcast %logistic3A_35 : f32 to vector<1024x32xf32>
    %logistic3A_37 = arith.addf %logistic3A_36, %logistic3A_34 : vector<1024x32xf32>
    %logistic3A_38 = arith.divf %logistic3A_36, %logistic3A_37 : vector<1024x32xf32>
    %mul3A_39 = arith.mulf %mul3A_33, %logistic3A_38 : vector<1024x32xf32>
    %get3A_40 = arith.constant 0 : index
    %get3A_41 = arith.constant 0 : index
    %get3A_42 = vector.load %arg2[%get3A_40, %get3A_41] : memref<1024x128xf32, #tpu.memory_space<vmem>>, vector<1024x128xf32>
    %slice3A_43 = vector.extract_strided_slice %get3A_42 {offsets = [0, 0], sizes = [1024, 32], strides = [1, 1]} : vector<1024x128xf32> to vector<1024x32xf32>
    %slice3A_44 = vector.extract_strided_slice %get3A_42 {offsets = [0, 32], sizes = [1024, 32], strides = [1, 1]} : vector<1024x128xf32> to vector<1024x32xf32>
    %slice3A_45 = vector.extract_strided_slice %get3A_42 {offsets = [0, 64], sizes = [1024, 32], strides = [1, 1]} : vector<1024x128xf32> to vector<1024x32xf32>
    %slice3A_46 = vector.extract_strided_slice %get3A_42 {offsets = [0, 96], sizes = [1024, 32], strides = [1, 1]} : vector<1024x128xf32> to vector<1024x32xf32>
    %mul3A_47 = vector.broadcast %slice3A_24 : vector<1024x1xf32> to vector<1024x32xf32>
    %mul3A_48 = arith.mulf %slice3A_44, %mul3A_47 : vector<1024x32xf32>
    %mul3A_49 = vector.broadcast %slice3A_25 : vector<1024x1xf32> to vector<1024x32xf32>
    %mul3A_50 = arith.mulf %slice3A_45, %mul3A_49 : vector<1024x32xf32>
    %add3A_51 = arith.addf %mul3A_48, %mul3A_50 : vector<1024x32xf32>
    %mul3A_52 = vector.broadcast %slice3A_26 : vector<1024x1xf32> to vector<1024x32xf32>
    %mul3A_53 = arith.mulf %slice3A_46, %mul3A_52 : vector<1024x32xf32>
    %add3A_54 = arith.addf %add3A_51, %mul3A_53 : vector<1024x32xf32>
    %mul3A_55 = arith.constant 0.577350259 : f32
    %mul3A_56 = vector.broadcast %mul3A_55 : f32 to vector<1024x32xf32>
    %mul3A_57 = arith.mulf %add3A_54, %mul3A_56 : vector<1024x32xf32>
    %get3A_58 = arith.constant 0 : index
    %get3A_59 = arith.constant 0 : index
    %get3A_60 = vector.load %arg5[%get3A_58, %get3A_59] : memref<32x1024xf32, #tpu.memory_space<vmem>>, vector<32x1024xf32>
    %dot_general3A = arith.constant dense<0.000000e+00> : vector<1024x1024xf32>
    %dot_general3A_61 = tpu.matmul %mul3A_39, %get3A_60, %dot_general3A {dimension_numbers = #tpu.dot_dimension_numbers<[1], [0], [0], [1], [0, 0, 1, 1], [], []>, transpose_lhs_hint = false} : vector<1024x32xf32>, vector<32x1024xf32>, vector<1024x1024xf32> -> vector<1024x1024xf32>
    %slice3A_62 = vector.extract_strided_slice %dot_general3A_61 {offsets = [0, 0], sizes = [1024, 512], strides = [1, 1]} : vector<1024x1024xf32> to vector<1024x512xf32>
    %slice3A_63 = vector.extract_strided_slice %dot_general3A_61 {offsets = [0, 512], sizes = [1024, 512], strides = [1, 1]} : vector<1024x1024xf32> to vector<1024x512xf32>
    %mul3A_64 = vector.broadcast %slice3A_24 : vector<1024x1xf32> to vector<1024x32xf32>
    %mul3A_65 = arith.mulf %slice3A_43, %mul3A_64 : vector<1024x32xf32>
    %mul3A_66 = vector.broadcast %slice3A_25 : vector<1024x1xf32> to vector<1024x32xf32>
    %mul3A_67 = arith.mulf %slice3A_43, %mul3A_66 : vector<1024x32xf32>
    %mul3A_68 = vector.broadcast %slice3A_26 : vector<1024x1xf32> to vector<1024x32xf32>
    %mul3A_69 = arith.mulf %slice3A_43, %mul3A_68 : vector<1024x32xf32>
    %concatenate3A_70 = tpu.concatenate %slice3A_43, %mul3A_57, %slice3A_44, %mul3A_65, %slice3A_45, %mul3A_67, %slice3A_46, %mul3A_69 in 1 : vector<1024x32xf32>, vector<1024x32xf32>, vector<1024x32xf32>, vector<1024x32xf32>, vector<1024x32xf32>, vector<1024x32xf32>, vector<1024x32xf32>, vector<1024x32xf32> -> vector<1024x256xf32>
    %convert_element_type3A = arith.truncf %concatenate3A_70 : vector<1024x256xf32> to vector<1024x256xbf16>
    %get3A_71 = arith.constant 0 : index
    %get3A_72 = arith.constant 0 : index
    %get3A_73 = vector.load %arg4[%get3A_71, %get3A_72] : memref<256x4096xbf16, #tpu.memory_space<vmem>>, vector<256x4096xbf16>
    %dot_general3A_74 = arith.constant dense<0.000000e+00> : vector<1024x4096xf32>
    %dot_general3A_75 = tpu.matmul %convert_element_type3A, %get3A_73, %dot_general3A_74 {dimension_numbers = #tpu.dot_dimension_numbers<[1], [0], [0], [1], [0, 0, 1, 1], [], []>, transpose_lhs_hint = false} : vector<1024x256xbf16>, vector<256x4096xbf16>, vector<1024x4096xf32> -> vector<1024x4096xf32>
    %slice3A_76 = vector.extract_strided_slice %dot_general3A_75 {offsets = [0, 0], sizes = [1024, 1024], strides = [1, 1]} : vector<1024x4096xf32> to vector<1024x1024xf32>
    %slice3A_77 = vector.extract_strided_slice %slice3A_76 {offsets = [0, 0], sizes = [1024, 512], strides = [1, 1]} : vector<1024x1024xf32> to vector<1024x512xf32>
    %mul3A_78 = arith.mulf %slice3A_62, %slice3A_77 : vector<1024x512xf32>
    %slice3A_79 = vector.extract_strided_slice %slice3A_76 {offsets = [0, 512], sizes = [1024, 512], strides = [1, 1]} : vector<1024x1024xf32> to vector<1024x512xf32>
    %mul3A_80 = arith.mulf %slice3A_63, %slice3A_79 : vector<1024x512xf32>
    %add3A_81 = arith.addf %mul3A_78, %mul3A_80 : vector<1024x512xf32>
    %slice3A_82 = vector.extract_strided_slice %add3A_81 {offsets = [0, 0], sizes = [1024, 128], strides = [1, 1]} : vector<1024x512xf32> to vector<1024x128xf32>
    %slice3A_83 = vector.extract_strided_slice %add3A_81 {offsets = [0, 128], sizes = [1024, 128], strides = [1, 1]} : vector<1024x512xf32> to vector<1024x128xf32>
    %add3A_84 = arith.addf %slice3A_82, %slice3A_83 : vector<1024x128xf32>
    %slice3A_85 = vector.extract_strided_slice %add3A_81 {offsets = [0, 256], sizes = [1024, 128], strides = [1, 1]} : vector<1024x512xf32> to vector<1024x128xf32>
    %slice3A_86 = vector.extract_strided_slice %add3A_81 {offsets = [0, 384], sizes = [1024, 128], strides = [1, 1]} : vector<1024x512xf32> to vector<1024x128xf32>
    %add3A_87 = arith.addf %slice3A_85, %slice3A_86 : vector<1024x128xf32>
    %add3A_88 = arith.addf %add3A_84, %add3A_87 : vector<1024x128xf32>
    %slice3A_89 = vector.extract_strided_slice %add3A_88 {offsets = [0, 0], sizes = [1024, 32], strides = [1, 1]} : vector<1024x128xf32> to vector<1024x32xf32>
    %slice3A_90 = vector.extract_strided_slice %add3A_88 {offsets = [0, 32], sizes = [1024, 32], strides = [1, 1]} : vector<1024x128xf32> to vector<1024x32xf32>
    %add3A_91 = arith.addf %slice3A_89, %slice3A_90 : vector<1024x32xf32>
    %slice3A_92 = vector.extract_strided_slice %add3A_88 {offsets = [0, 64], sizes = [1024, 32], strides = [1, 1]} : vector<1024x128xf32> to vector<1024x32xf32>
    %slice3A_93 = vector.extract_strided_slice %add3A_88 {offsets = [0, 96], sizes = [1024, 32], strides = [1, 1]} : vector<1024x128xf32> to vector<1024x32xf32>
    %add3A_94 = arith.addf %slice3A_92, %slice3A_93 : vector<1024x32xf32>
    %add3A_95 = arith.addf %add3A_91, %add3A_94 : vector<1024x32xf32>
    %mul3A_96 = arith.constant 0.0220970865 : f32
    %mul3A_97 = vector.broadcast %mul3A_96 : f32 to vector<1024x32xf32>
    %mul3A_98 = arith.mulf %mul3A_97, %add3A_95 : vector<1024x32xf32>
    %slice3A_99 = vector.extract_strided_slice %dot_general3A_75 {offsets = [0, 1024], sizes = [1024, 1024], strides = [1, 1]} : vector<1024x4096xf32> to vector<1024x1024xf32>
    %slice3A_100 = vector.extract_strided_slice %slice3A_99 {offsets = [0, 0], sizes = [1024, 512], strides = [1, 1]} : vector<1024x1024xf32> to vector<1024x512xf32>
    %mul3A_101 = arith.mulf %slice3A_62, %slice3A_100 : vector<1024x512xf32>
    %slice3A_102 = vector.extract_strided_slice %slice3A_99 {offsets = [0, 512], sizes = [1024, 512], strides = [1, 1]} : vector<1024x1024xf32> to vector<1024x512xf32>
    %mul3A_103 = arith.mulf %slice3A_63, %slice3A_102 : vector<1024x512xf32>
    %add3A_104 = arith.addf %mul3A_101, %mul3A_103 : vector<1024x512xf32>
    %slice3A_105 = vector.extract_strided_slice %add3A_104 {offsets = [0, 0], sizes = [1024, 128], strides = [1, 1]} : vector<1024x512xf32> to vector<1024x128xf32>
    %slice3A_106 = vector.extract_strided_slice %add3A_104 {offsets = [0, 128], sizes = [1024, 128], strides = [1, 1]} : vector<1024x512xf32> to vector<1024x128xf32>
    %add3A_107 = arith.addf %slice3A_105, %slice3A_106 : vector<1024x128xf32>
    %slice3A_108 = vector.extract_strided_slice %add3A_104 {offsets = [0, 256], sizes = [1024, 128], strides = [1, 1]} : vector<1024x512xf32> to vector<1024x128xf32>
    %slice3A_109 = vector.extract_strided_slice %add3A_104 {offsets = [0, 384], sizes = [1024, 128], strides = [1, 1]} : vector<1024x512xf32> to vector<1024x128xf32>
    %add3A_110 = arith.addf %slice3A_108, %slice3A_109 : vector<1024x128xf32>
    %add3A_111 = arith.addf %add3A_107, %add3A_110 : vector<1024x128xf32>
    %slice3A_112 = vector.extract_strided_slice %add3A_111 {offsets = [0, 0], sizes = [1024, 32], strides = [1, 1]} : vector<1024x128xf32> to vector<1024x32xf32>
    %slice3A_113 = vector.extract_strided_slice %add3A_111 {offsets = [0, 32], sizes = [1024, 32], strides = [1, 1]} : vector<1024x128xf32> to vector<1024x32xf32>
    %add3A_114 = arith.addf %slice3A_112, %slice3A_113 : vector<1024x32xf32>
    %slice3A_115 = vector.extract_strided_slice %add3A_111 {offsets = [0, 64], sizes = [1024, 32], strides = [1, 1]} : vector<1024x128xf32> to vector<1024x32xf32>
    %slice3A_116 = vector.extract_strided_slice %add3A_111 {offsets = [0, 96], sizes = [1024, 32], strides = [1, 1]} : vector<1024x128xf32> to vector<1024x32xf32>
    %add3A_117 = arith.addf %slice3A_115, %slice3A_116 : vector<1024x32xf32>
    %add3A_118 = arith.addf %add3A_114, %add3A_117 : vector<1024x32xf32>
    %mul3A_119 = arith.constant 0.0220970865 : f32
    %mul3A_120 = vector.broadcast %mul3A_119 : f32 to vector<1024x32xf32>
    %mul3A_121 = arith.mulf %mul3A_120, %add3A_118 : vector<1024x32xf32>
    %slice3A_122 = vector.extract_strided_slice %dot_general3A_75 {offsets = [0, 2048], sizes = [1024, 1024], strides = [1, 1]} : vector<1024x4096xf32> to vector<1024x1024xf32>
    %slice3A_123 = vector.extract_strided_slice %slice3A_122 {offsets = [0, 0], sizes = [1024, 512], strides = [1, 1]} : vector<1024x1024xf32> to vector<1024x512xf32>
    %mul3A_124 = arith.mulf %slice3A_62, %slice3A_123 : vector<1024x512xf32>
    %slice3A_125 = vector.extract_strided_slice %slice3A_122 {offsets = [0, 512], sizes = [1024, 512], strides = [1, 1]} : vector<1024x1024xf32> to vector<1024x512xf32>
    %mul3A_126 = arith.mulf %slice3A_63, %slice3A_125 : vector<1024x512xf32>
    %add3A_127 = arith.addf %mul3A_124, %mul3A_126 : vector<1024x512xf32>
    %slice3A_128 = vector.extract_strided_slice %add3A_127 {offsets = [0, 0], sizes = [1024, 128], strides = [1, 1]} : vector<1024x512xf32> to vector<1024x128xf32>
    %slice3A_129 = vector.extract_strided_slice %add3A_127 {offsets = [0, 128], sizes = [1024, 128], strides = [1, 1]} : vector<1024x512xf32> to vector<1024x128xf32>
    %add3A_130 = arith.addf %slice3A_128, %slice3A_129 : vector<1024x128xf32>
    %slice3A_131 = vector.extract_strided_slice %add3A_127 {offsets = [0, 256], sizes = [1024, 128], strides = [1, 1]} : vector<1024x512xf32> to vector<1024x128xf32>
    %slice3A_132 = vector.extract_strided_slice %add3A_127 {offsets = [0, 384], sizes = [1024, 128], strides = [1, 1]} : vector<1024x512xf32> to vector<1024x128xf32>
    %add3A_133 = arith.addf %slice3A_131, %slice3A_132 : vector<1024x128xf32>
    %add3A_134 = arith.addf %add3A_130, %add3A_133 : vector<1024x128xf32>
    %slice3A_135 = vector.extract_strided_slice %add3A_134 {offsets = [0, 0], sizes = [1024, 32], strides = [1, 1]} : vector<1024x128xf32> to vector<1024x32xf32>
    %slice3A_136 = vector.extract_strided_slice %add3A_134 {offsets = [0, 32], sizes = [1024, 32], strides = [1, 1]} : vector<1024x128xf32> to vector<1024x32xf32>
    %add3A_137 = arith.addf %slice3A_135, %slice3A_136 : vector<1024x32xf32>
    %slice3A_138 = vector.extract_strided_slice %add3A_134 {offsets = [0, 64], sizes = [1024, 32], strides = [1, 1]} : vector<1024x128xf32> to vector<1024x32xf32>
    %slice3A_139 = vector.extract_strided_slice %add3A_134 {offsets = [0, 96], sizes = [1024, 32], strides = [1, 1]} : vector<1024x128xf32> to vector<1024x32xf32>
    %add3A_140 = arith.addf %slice3A_138, %slice3A_139 : vector<1024x32xf32>
    %add3A_141 = arith.addf %add3A_137, %add3A_140 : vector<1024x32xf32>
    %mul3A_142 = arith.constant 0.0220970865 : f32
    %mul3A_143 = vector.broadcast %mul3A_142 : f32 to vector<1024x32xf32>
    %mul3A_144 = arith.mulf %mul3A_143, %add3A_141 : vector<1024x32xf32>
    %slice3A_145 = vector.extract_strided_slice %dot_general3A_75 {offsets = [0, 3072], sizes = [1024, 1024], strides = [1, 1]} : vector<1024x4096xf32> to vector<1024x1024xf32>
    %slice3A_146 = vector.extract_strided_slice %slice3A_145 {offsets = [0, 0], sizes = [1024, 512], strides = [1, 1]} : vector<1024x1024xf32> to vector<1024x512xf32>
    %mul3A_147 = arith.mulf %slice3A_62, %slice3A_146 : vector<1024x512xf32>
    %slice3A_148 = vector.extract_strided_slice %slice3A_145 {offsets = [0, 512], sizes = [1024, 512], strides = [1, 1]} : vector<1024x1024xf32> to vector<1024x512xf32>
    %mul3A_149 = arith.mulf %slice3A_63, %slice3A_148 : vector<1024x512xf32>
    %add3A_150 = arith.addf %mul3A_147, %mul3A_149 : vector<1024x512xf32>
    %slice3A_151 = vector.extract_strided_slice %add3A_150 {offsets = [0, 0], sizes = [1024, 128], strides = [1, 1]} : vector<1024x512xf32> to vector<1024x128xf32>
    %slice3A_152 = vector.extract_strided_slice %add3A_150 {offsets = [0, 128], sizes = [1024, 128], strides = [1, 1]} : vector<1024x512xf32> to vector<1024x128xf32>
    %add3A_153 = arith.addf %slice3A_151, %slice3A_152 : vector<1024x128xf32>
    %slice3A_154 = vector.extract_strided_slice %add3A_150 {offsets = [0, 256], sizes = [1024, 128], strides = [1, 1]} : vector<1024x512xf32> to vector<1024x128xf32>
    %slice3A_155 = vector.extract_strided_slice %add3A_150 {offsets = [0, 384], sizes = [1024, 128], strides = [1, 1]} : vector<1024x512xf32> to vector<1024x128xf32>
    %add3A_156 = arith.addf %slice3A_154, %slice3A_155 : vector<1024x128xf32>
    %add3A_157 = arith.addf %add3A_153, %add3A_156 : vector<1024x128xf32>
    %slice3A_158 = vector.extract_strided_slice %add3A_157 {offsets = [0, 0], sizes = [1024, 32], strides = [1, 1]} : vector<1024x128xf32> to vector<1024x32xf32>
    %slice3A_159 = vector.extract_strided_slice %add3A_157 {offsets = [0, 32], sizes = [1024, 32], strides = [1, 1]} : vector<1024x128xf32> to vector<1024x32xf32>
    %add3A_160 = arith.addf %slice3A_158, %slice3A_159 : vector<1024x32xf32>
    %slice3A_161 = vector.extract_strided_slice %add3A_157 {offsets = [0, 64], sizes = [1024, 32], strides = [1, 1]} : vector<1024x128xf32> to vector<1024x32xf32>
    %slice3A_162 = vector.extract_strided_slice %add3A_157 {offsets = [0, 96], sizes = [1024, 32], strides = [1, 1]} : vector<1024x128xf32> to vector<1024x32xf32>
    %add3A_163 = arith.addf %slice3A_161, %slice3A_162 : vector<1024x32xf32>
    %add3A_164 = arith.addf %add3A_160, %add3A_163 : vector<1024x32xf32>
    %mul3A_165 = arith.constant 0.0220970865 : f32
    %mul3A_166 = vector.broadcast %mul3A_165 : f32 to vector<1024x32xf32>
    %mul3A_167 = arith.mulf %mul3A_166, %add3A_164 : vector<1024x32xf32>
    %concatenate3A_168 = tpu.concatenate %mul3A_98, %mul3A_121, %mul3A_144, %mul3A_167 in 1 : vector<1024x32xf32>, vector<1024x32xf32>, vector<1024x32xf32>, vector<1024x32xf32> -> vector<1024x128xf32>
    %swap3A = arith.constant 0 : index
    %swap3A_169 = arith.constant 0 : index
    %swap3A_170 = vector.load %arg6[%swap3A, %swap3A_169] : memref<1024x128xf32, #tpu.memory_space<vmem>>, vector<1024x128xf32>
    tpu.vector_store %arg6[%swap3A, %swap3A_169], %concatenate3A_168 {strides = array<i32>} : memref<1024x128xf32, #tpu.memory_space<vmem>>, vector<1024x128xf32>,
    return
  }
  func.func @transform_0(%arg0: i32) -> (i32, i32) {
    %add3A = arith.constant 0 : i32
    %add3A_0 = arith.addi %arg0, %add3A : i32
    %c0_i32 = arith.constant 0 : i32
    %c0_i32_1 = arith.constant 0 : i32
    return %c0_i32, %add3A_0 : i32, i32
  }
  func.func @transform_1(%arg0: i32) -> (i32, i32) {
    %c0_i32 = arith.constant 0 : i32
    %c0_i32_0 = arith.constant 0 : i32
    return %arg0, %c0_i32 : i32, i32
  }
  func.func @transform_2(%arg0: i32) -> (i32, i32) {
    %c0_i32 = arith.constant 0 : i32
    %c0_i32_0 = arith.constant 0 : i32
    %c0_i32_1 = arith.constant 0 : i32
    return %c0_i32, %c0_i32_0 : i32, i32
  }
  func.func @transform_3(%arg0: i32) -> (i32, i32) {
    %c0_i32 = arith.constant 0 : i32
    %c0_i32_0 = arith.constant 0 : i32
    %c0_i32_1 = arith.constant 0 : i32
    return %c0_i32, %c0_i32_0 : i32, i32
  }
  func.func @transform_4(%arg0: i32) -> (i32, i32) {
    %c0_i32 = arith.constant 0 : i32
    %c0_i32_0 = arith.constant 0 : i32
    %c0_i32_1 = arith.constant 0 : i32
    return %c0_i32, %c0_i32_0 : i32, i32
  }
  func.func @transform_5(%arg0: i32) -> (i32, i32) {
    %c0_i32 = arith.constant 0 : i32
    %c0_i32_0 = arith.constant 0 : i32
    return %arg0, %c0_i32 : i32, i32
  }
}

module attributes {stable_mosaic.version = 14 : i64} {
  func.func @_fin_body(%arg0: memref<2x2048x128xf32, #tpu.memory_space<vmem>>, %arg1: memref<2048x128xf32, #tpu.memory_space<vmem>>, %arg2: memref<128x128xf32, #tpu.memory_space<vmem>>, %arg3: memref<32x32xf32, #tpu.memory_space<vmem>>, %arg4: memref<1x32xf32, #tpu.memory_space<vmem>>, %arg5: memref<32x32xf32, #tpu.memory_space<vmem>>, %arg6: memref<128x128xf32, #tpu.memory_space<vmem>>, %arg7: memref<2048x128xf32, #tpu.memory_space<vmem>>) attributes {dimension_semantics = [], scalar_prefetch = 0 : i64, scratch_operands = 0 : i64, tpu.core_type = #tpu.core_type<tc>} {
    %get3A = arith.constant 0 : index
    %get3A_0 = arith.constant 0 : index
    %get3A_1 = vector.load %arg1[%get3A, %get3A_0] : memref<2048x128xf32, #tpu.memory_space<vmem>>, vector<2048x128xf32>
    %get3A_2 = arith.constant 0 : index
    %get3A_3 = arith.constant 0 : index
    %get3A_4 = vector.load %arg2[%get3A_2, %get3A_3] : memref<128x128xf32, #tpu.memory_space<vmem>>, vector<128x128xf32>
    %dot_general3A = arith.constant dense<0.000000e+00> : vector<2048x128xf32>
    %dot_general3A_5 = tpu.matmul %get3A_1, %get3A_4, %dot_general3A {dimension_numbers = #tpu.dot_dimension_numbers<[1], [0], [0], [1], [0, 0, 1, 1], [], []>, transpose_lhs_hint = false} : vector<2048x128xf32>, vector<128x128xf32>, vector<2048x128xf32> -> vector<2048x128xf32>
    %get3A_6 = arith.constant 0 : index
    %get3A_7 = arith.constant 0 : index
    %get3A_8 = vector.load %arg3[%get3A_6, %get3A_7] : memref<32x32xf32, #tpu.memory_space<vmem>>, vector<32x32xf32>
    %get3A_9 = arith.constant 0 : index
    %get3A_10 = arith.constant 0 : index
    %get3A_11 = vector.load %arg4[%get3A_9, %get3A_10] : memref<1x32xf32, #tpu.memory_space<vmem>>, vector<1x32xf32>
    %get3A_12 = arith.constant 0 : index
    %get3A_13 = arith.constant 0 : index
    %get3A_14 = vector.load %arg5[%get3A_12, %get3A_13] : memref<32x32xf32, #tpu.memory_space<vmem>>, vector<32x32xf32>
    %slice3A = vector.extract_strided_slice %dot_general3A_5 {offsets = [0, 0], sizes = [2048, 32], strides = [1, 1]} : vector<2048x128xf32> to vector<2048x32xf32>
    %dot_general3A_15 = arith.constant dense<0.000000e+00> : vector<2048x32xf32>
    %dot_general3A_16 = tpu.matmul %slice3A, %get3A_8, %dot_general3A_15 {dimension_numbers = #tpu.dot_dimension_numbers<[1], [0], [0], [1], [0, 0, 1, 1], [], []>, transpose_lhs_hint = false} : vector<2048x32xf32>, vector<32x32xf32>, vector<2048x32xf32> -> vector<2048x32xf32>
    %mul3A = arith.constant 0.176776692 : f32
    %mul3A_17 = vector.broadcast %mul3A : f32 to vector<2048x32xf32>
    %mul3A_18 = arith.mulf %dot_general3A_16, %mul3A_17 : vector<2048x32xf32>
    %add3A = vector.broadcast %get3A_11 : vector<1x32xf32> to vector<2048x32xf32>
    %add3A_19 = arith.addf %mul3A_18, %add3A : vector<2048x32xf32>
    %slice3A_20 = vector.extract_strided_slice %dot_general3A_5 {offsets = [0, 32], sizes = [2048, 32], strides = [1, 1]} : vector<2048x128xf32> to vector<2048x32xf32>
    %dot_general3A_21 = arith.constant dense<0.000000e+00> : vector<2048x32xf32>
    %dot_general3A_22 = tpu.matmul %slice3A_20, %get3A_14, %dot_general3A_21 {dimension_numbers = #tpu.dot_dimension_numbers<[1], [0], [0], [1], [0, 0, 1, 1], [], []>, transpose_lhs_hint = false} : vector<2048x32xf32>, vector<32x32xf32>, vector<2048x32xf32> -> vector<2048x32xf32>
    %mul3A_23 = arith.constant 0.176776692 : f32
    %mul3A_24 = vector.broadcast %mul3A_23 : f32 to vector<2048x32xf32>
    %mul3A_25 = arith.mulf %dot_general3A_22, %mul3A_24 : vector<2048x32xf32>
    %slice3A_26 = vector.extract_strided_slice %dot_general3A_5 {offsets = [0, 64], sizes = [2048, 32], strides = [1, 1]} : vector<2048x128xf32> to vector<2048x32xf32>
    %dot_general3A_27 = arith.constant dense<0.000000e+00> : vector<2048x32xf32>
    %dot_general3A_28 = tpu.matmul %slice3A_26, %get3A_14, %dot_general3A_27 {dimension_numbers = #tpu.dot_dimension_numbers<[1], [0], [0], [1], [0, 0, 1, 1], [], []>, transpose_lhs_hint = false} : vector<2048x32xf32>, vector<32x32xf32>, vector<2048x32xf32> -> vector<2048x32xf32>
    %mul3A_29 = arith.constant 0.176776692 : f32
    %mul3A_30 = vector.broadcast %mul3A_29 : f32 to vector<2048x32xf32>
    %mul3A_31 = arith.mulf %dot_general3A_28, %mul3A_30 : vector<2048x32xf32>
    %slice3A_32 = vector.extract_strided_slice %dot_general3A_5 {offsets = [0, 96], sizes = [2048, 32], strides = [1, 1]} : vector<2048x128xf32> to vector<2048x32xf32>
    %dot_general3A_33 = arith.constant dense<0.000000e+00> : vector<2048x32xf32>
    %dot_general3A_34 = tpu.matmul %slice3A_32, %get3A_14, %dot_general3A_33 {dimension_numbers = #tpu.dot_dimension_numbers<[1], [0], [0], [1], [0, 0, 1, 1], [], []>, transpose_lhs_hint = false} : vector<2048x32xf32>, vector<32x32xf32>, vector<2048x32xf32> -> vector<2048x32xf32>
    %mul3A_35 = arith.constant 0.176776692 : f32
    %mul3A_36 = vector.broadcast %mul3A_35 : f32 to vector<2048x32xf32>
    %mul3A_37 = arith.mulf %dot_general3A_34, %mul3A_36 : vector<2048x32xf32>
    %concatenate3A = tpu.concatenate %add3A_19, %mul3A_25, %mul3A_31, %mul3A_37 in 1 : vector<2048x32xf32>, vector<2048x32xf32>, vector<2048x32xf32>, vector<2048x32xf32> -> vector<2048x128xf32>
    %get3A_38 = arith.constant 0 : index
    %get3A_39 = arith.constant 0 : index
    %get3A_40 = arith.constant 0 : index
    %get3A_41 = vector.load %arg0[%get3A_38, %get3A_39, %get3A_40] : memref<2x2048x128xf32, #tpu.memory_space<vmem>>, vector<1x2048x128xf32>
    %get3A_42 = vector.shape_cast %get3A_41 : vector<1x2048x128xf32> to vector<2048x128xf32>
    %add3A_43 = arith.addf %concatenate3A, %get3A_42 : vector<2048x128xf32>
    %get3A_44 = arith.constant 1 : index
    %get3A_45 = arith.constant 0 : index
    %get3A_46 = arith.constant 0 : index
    %get3A_47 = vector.load %arg0[%get3A_44, %get3A_45, %get3A_46] : memref<2x2048x128xf32, #tpu.memory_space<vmem>>, vector<1x2048x128xf32>
    %get3A_48 = vector.shape_cast %get3A_47 : vector<1x2048x128xf32> to vector<2048x128xf32>
    %add3A_49 = arith.addf %add3A_43, %get3A_48 : vector<2048x128xf32>
    %slice3A_50 = vector.extract_strided_slice %add3A_49 {offsets = [0, 0], sizes = [2048, 32], strides = [1, 1]} : vector<2048x128xf32> to vector<2048x32xf32>
    %slice3A_51 = vector.extract_strided_slice %add3A_49 {offsets = [0, 32], sizes = [2048, 32], strides = [1, 1]} : vector<2048x128xf32> to vector<2048x32xf32>
    %slice3A_52 = vector.extract_strided_slice %add3A_49 {offsets = [0, 64], sizes = [2048, 32], strides = [1, 1]} : vector<2048x128xf32> to vector<2048x32xf32>
    %slice3A_53 = vector.extract_strided_slice %add3A_49 {offsets = [0, 96], sizes = [2048, 32], strides = [1, 1]} : vector<2048x128xf32> to vector<2048x32xf32>
    %abs3A = math.absf %slice3A_50 : vector<2048x32xf32>
    %logistic3A = arith.negf %abs3A : vector<2048x32xf32>
    %logistic3A_54 = math.exp %logistic3A : vector<2048x32xf32>
    %logistic3A_55 = arith.constant 1.000000e+00 : f32
    %logistic3A_56 = vector.broadcast %logistic3A_55 : f32 to vector<2048x32xf32>
    %logistic3A_57 = arith.addf %logistic3A_56, %logistic3A_54 : vector<2048x32xf32>
    %logistic3A_58 = arith.divf %logistic3A_56, %logistic3A_57 : vector<2048x32xf32>
    %mul3A_59 = arith.mulf %abs3A, %logistic3A_58 : vector<2048x32xf32>
    %mul3A_60 = arith.mulf %slice3A_50, %mul3A_59 : vector<2048x32xf32>
    %add3A_61 = arith.constant 9.99999993E-9 : f32
    %add3A_62 = vector.broadcast %add3A_61 : f32 to vector<2048x32xf32>
    %add3A_63 = arith.addf %abs3A, %add3A_62 : vector<2048x32xf32>
    %div3A = arith.divf %mul3A_60, %add3A_63 : vector<2048x32xf32>
    %mul3A_64 = arith.mulf %slice3A_51, %slice3A_51 : vector<2048x32xf32>
    %mul3A_65 = arith.mulf %slice3A_52, %slice3A_52 : vector<2048x32xf32>
    %add3A_66 = arith.addf %mul3A_64, %mul3A_65 : vector<2048x32xf32>
    %mul3A_67 = arith.mulf %slice3A_53, %slice3A_53 : vector<2048x32xf32>
    %add3A_68 = arith.addf %add3A_66, %mul3A_67 : vector<2048x32xf32>
    %sqrt3A = math.sqrt %add3A_68 : vector<2048x32xf32>
    %logistic3A_69 = arith.negf %sqrt3A : vector<2048x32xf32>
    %logistic3A_70 = math.exp %logistic3A_69 : vector<2048x32xf32>
    %logistic3A_71 = arith.constant 1.000000e+00 : f32
    %logistic3A_72 = vector.broadcast %logistic3A_71 : f32 to vector<2048x32xf32>
    %logistic3A_73 = arith.addf %logistic3A_72, %logistic3A_70 : vector<2048x32xf32>
    %logistic3A_74 = arith.divf %logistic3A_72, %logistic3A_73 : vector<2048x32xf32>
    %mul3A_75 = arith.mulf %sqrt3A, %logistic3A_74 : vector<2048x32xf32>
    %add3A_76 = arith.constant 9.99999993E-9 : f32
    %add3A_77 = vector.broadcast %add3A_76 : f32 to vector<2048x32xf32>
    %add3A_78 = arith.addf %sqrt3A, %add3A_77 : vector<2048x32xf32>
    %div3A_79 = arith.divf %mul3A_75, %add3A_78 : vector<2048x32xf32>
    %mul3A_80 = arith.mulf %slice3A_51, %div3A_79 : vector<2048x32xf32>
    %mul3A_81 = arith.mulf %slice3A_52, %div3A_79 : vector<2048x32xf32>
    %mul3A_82 = arith.mulf %slice3A_53, %div3A_79 : vector<2048x32xf32>
    %concatenate3A_83 = tpu.concatenate %div3A, %mul3A_80, %mul3A_81, %mul3A_82 in 1 : vector<2048x32xf32>, vector<2048x32xf32>, vector<2048x32xf32>, vector<2048x32xf32> -> vector<2048x128xf32>
    %get3A_84 = arith.constant 0 : index
    %get3A_85 = arith.constant 0 : index
    %get3A_86 = vector.load %arg6[%get3A_84, %get3A_85] : memref<128x128xf32, #tpu.memory_space<vmem>>, vector<128x128xf32>
    %dot_general3A_87 = arith.constant dense<0.000000e+00> : vector<2048x128xf32>
    %dot_general3A_88 = tpu.matmul %concatenate3A_83, %get3A_86, %dot_general3A_87 {dimension_numbers = #tpu.dot_dimension_numbers<[1], [0], [0], [1], [0, 0, 1, 1], [], []>, transpose_lhs_hint = false} : vector<2048x128xf32>, vector<128x128xf32>, vector<2048x128xf32> -> vector<2048x128xf32>
    %swap3A = arith.constant 0 : index
    %swap3A_89 = arith.constant 0 : index
    %swap3A_90 = vector.load %arg7[%swap3A, %swap3A_89] : memref<2048x128xf32, #tpu.memory_space<vmem>>, vector<2048x128xf32>
    tpu.vector_store %arg7[%swap3A, %swap3A_89], %dot_general3A_88 {strides = array<i32>} : memref<2048x128xf32, #tpu.memory_space<vmem>>, vector<2048x128xf32>,
    return
  }
}

</mosaic_0001>

<sc_bundles>
// kernel: kernel.10.cloned.1.call-start
scs
__scs_entry_jumppad:
0x0: {  	(pc) =	sbr.rel $0x88, $3  }
0x1: {  	(tag) =	ssettag $0x0;
	lr =	simm.s32 $0x1  }
0x2: {  	[smem:$0x3F95] =	sst lr;
	_ =	strace $0xD0000000  }
0x3: {  	_ = 	snop  }
0x4: {  	_ = 	snop  }
0x5: {  	_ = 	snop  }
0x6: {  	_ = 	snop  }
0x7: {  	_ = 	snop  }
__scs_overlays_trampoline_lowered:
0x8: {  	[smem:$0x3FA4] =	sst s0  }
0x9: {  	[smem:$0x3FA5] =	sst s1  }
0xa: {  	[smem:$0x3FA6] =	sst s2  }
0xb: {  	[smem:$0x3FA7] =	sst s3  }
0xc: {  	[smem:$0x3FA8] =	sst s4  }
0xd: {  	[smem:$0x3FA9] =	sst s5  }
0xe: {  	[smem:$0x3FAA] =	sst s6  }
0xf: {  	[smem:$0x3FAB] =	sst s7  }
0x10: {  	[smem:$0x3FAC] =	sst s8  }
0x11: {  	[smem:$0x3FAD] =	sst s9;
	s0 =	simm.s32 @!p0 $0x0  }
0x12: {  	s1 =	sld [smem:$0x3F93];
	s0 =	simm.s32 @p0 $0x1  }
0x13: {  	[smem:$0x3FAE] =	sst s0;
	s0 =	simm.s32 @!p1 $0x0  }
0x14: {  	s2 =	sld [smem:$0x3F92];
	s0 =	simm.s32 @p1 $0x1  }
0x15: {  	[smem:$0x3FAF] =	sst s0;
	s0 =	simm.s32 @!p2 $0x0  }
0x16: {  	s3 =	sld [smem:$0x3FDB];
	s0 =	simm.s32 @p2 $0x1  }
0x17: {  	s4 =	simm.s32 $0x1BF5;
	[smem:$0x3FB1] =	sst s0  }
0x18: {  	s0 =	sld [smem:$0x3F94];
	_ =	swait.ge [sflag:s4], $0x0  }
0x19: {  	s7 =	sld [smem:$0x3F95]  }
0x1a: {  	s8 =	sadd.s32 $0xFFFFE003, lr  }
0x1b: {  	s9 =	sadd.s32 $0xFFFFFEF7, lr;
	s5 =	simm.s32 $0xFFFFFFFF;
	p2 =	slt.u32 s8, $0xFFFFF086  }
0x1c: {  	p1 =	slt.u32 s9, $0xF7A;
	s5 =	simm.s32 @!p2 $0x0  }
0x1d: {  	s5 =	simm.s32 @p1 $0x1;
	p0 =	seq.s32 s7, s2  }
0x1e: {  	s7 =	smul.u32 @!p0 $0xF7A, s2;
	p2 =	seq.s32 @!p0 s5, $0x0  }
0x1f: {  	s9 =	smul.u32 $0xF7A, s1;
	s8 =	simm.s32 @!p0 $0x1BF5;
	p2 =	por !p2, p0  }
0x20: {  	[sflag:s8] =	ssyncset.s32 @!p0 $0xFFFFF086;
	s6 =	sadd.s32 @!p0 s3, s7;
	s7 =	simm.s32 @!p0 $0x108  }
0x21: {  	s3 =	sadd.s32 s3, s9;
	s6 =	sadd.s32 @!p0 $0x88, s6;
	s7 =	simm.s32 @p2 $0x1082  }
0x22: {  	[simem:s7], [sflag:s8] =	dma.local @!p0 [hbm:s6], $0xF7A  }
0x23: {  	s9 =	sor.u32 $0xD0000000, s2;
	s6 =	simm.s32 $0x108;
	_ =	swait.ge @!p0 [sflag:s8], $0x0  }
0x24: {  	s3 =	sadd.s32 $0x88, s3;
	s6 =	simm.s32 @!p1 $0x1082;
	[sflag:s4] =	ssyncset.s32 $0xFFFFF086  }
0x25: {  	[simem:s6], [sflag:s4] =	dma.local [hbm:s3], $0xF7A  }
0x26: {  	[smem:$0x3F95] =	sst s1;
	(tag) =	ssettag s2;
	_ =	strace s9  }
0x27: {  	s1 =	sld [smem:$0x3FA5]  }
0x28: {  	s2 =	sld [smem:$0x3FA6]  }
0x29: {  	s4 =	sld [smem:$0x3FA8]  }
0x2a: {  	p0 =	seq.s32 s5, $0x0;
	s5 =	sld [smem:$0x3FA9]  }
0x2b: {  	s6 =	sld [smem:$0x3FAA]  }
0x2c: {  	s7 =	sld [smem:$0x3FAB]  }
0x2d: {  	s3 =	simm.s32 $0x108;
	s8 =	sld [smem:$0x3FAC]  }
0x2e: {  	s3 =	simm.s32 @!p0 $0x1082;
	s9 =	sld [smem:$0x3FAD]  }
0x2f: {  	lr =	sadd.s32 s0, s3;
	s0 =	sld [smem:$0x3FA4]  }
0x30: {  	s3 =	sld [smem:$0x3FA7]  }
0x31: {  	[smem:$0x3FB0] =	sst s10  }
0x32: {  	s10 =	sld [smem:$0x3FAE];
	_ =	sdelay $0x3  }
0x33: {  	p0 =	seq.s32 s10, $0x1;
	s10 =	sld [smem:$0x3FB0];
	_ =	sdelay $0x3  }
0x34: {  	[smem:$0x3FB0] =	sst s10  }
0x35: {  	s10 =	sld [smem:$0x3FAF];
	_ =	sdelay $0x3  }
0x36: {  	p1 =	seq.s32 s10, $0x1;
	s10 =	sld [smem:$0x3FB0];
	_ =	sdelay $0x3  }
0x37: {  	[smem:$0x3FB0] =	sst s10  }
0x38: {  	s10 =	sld [smem:$0x3FB1]  }
0x39: {  	_ = 	snop;
	(pc) =	sbr.ind lr, $3  }
0x3a: {  	_ = 	snop  }
0x3b: {  	_ = 	snop  }
0x3c: {  	p2 =	seq.s32 s10, $0x1;
	s10 =	sld [smem:$0x3FB0]  }
0x3d: {  	_ =	shalt  }
0x3e: {  	_ =	shalt  }
0x3f: {  	_ =	shalt  }
0x40: {  	_ =	shalt  }
0x41: {  	_ =	shalt  }
0x42: {  	_ =	shalt  }
0x43: {  	_ =	shalt  }
0x44: {  	_ =	shalt  }
0x45: {  	_ =	shalt  }
0x46: {  	_ =	shalt  }
0x47: {  	_ =	shalt  }
0x48: {  	_ =	shalt  }
0x49: {  	_ =	shalt  }
0x4a: {  	_ =	shalt  }
0x4b: {  	_ =	shalt  }
0x4c: {  	_ =	shalt  }
0x4d: {  	_ =	shalt  }
0x4e: {  	_ =	shalt  }
0x4f: {  	_ =	shalt  }
0x50: {  	_ =	shalt  }
0x51: {  	_ =	shalt  }
0x52: {  	_ =	shalt  }
0x53: {  	_ =	shalt  }
0x54: {  	_ =	shalt  }
0x55: {  	_ =	shalt  }
0x56: {  	_ =	shalt  }
0x57: {  	_ =	shalt  }
0x58: {  	_ =	shalt  }
0x59: {  	_ =	shalt  }
0x5a: {  	_ =	shalt  }
0x5b: {  	_ =	shalt  }
0x5c: {  	_ =	shalt  }
0x5d: {  	_ =	shalt  }
0x5e: {  	_ =	shalt  }
0x5f: {  	_ =	shalt  }
0x60: {  	_ =	shalt  }
0x61: {  	_ =	shalt  }
0x62: {  	_ =	shalt  }
0x63: {  	_ =	shalt  }
0x64: {  	_ =	shalt  }
0x65: {  	_ =	shalt  }
0x66: {  	_ =	shalt  }
0x67: {  	_ =	shalt  }
0x68: {  	_ =	shalt  }
0x69: {  	_ =	shalt  }
0x6a: {  	_ =	shalt  }
0x6b: {  	_ =	shalt  }
0x6c: {  	_ =	shalt  }
0x6d: {  	_ =	shalt  }
0x6e: {  	_ =	shalt  }
0x6f: {  	_ =	shalt  }
0x70: {  	_ =	shalt  }
0x71: {  	_ =	shalt  }
0x72: {  	_ =	shalt  }
0x73: {  	_ =	shalt  }
0x74: {  	_ =	shalt  }
0x75: {  	_ =	shalt  }
0x76: {  	_ =	shalt  }
0x77: {  	_ =	shalt  }
0x78: {  	_ =	shalt  }
0x79: {  	_ =	shalt  }
0x7a: {  	_ =	shalt  }
0x7b: {  	_ =	shalt  }
0x7c: {  	_ =	shalt  }
0x7d: {  	_ =	shalt  }
0x7e: {  	_ =	shalt  }
0x7f: {  	_ =	shalt  }
0x80: {  	_ =	shalt  }
0x81: {  	_ =	shalt  }
0x82: {  	_ =	shalt  }
0x83: {  	_ =	shalt  }
0x84: {  	_ =	shalt  }
0x85: {  	_ =	shalt  }
0x86: {  	_ =	shalt  }
0x87: {  	_ =	shalt  }
.Lfunc_end0:
.L_simem_size_0:
called_computation.1_lowered:
.L_overlay_start_0:
0x88: {  	s2 =	sld [smem:$0x3FD9]  }
0x89: {  	s3 =	sld [smem:$0x3FFE];
	_ =	sdelay $0x1  }
0x8a: {  	s1 =	srdreg.scid  }
0x8b: {  	s0 =	sand.u32 $0x1, s1  }
0x8c: {  	s17 =	sshll.u32 s0, $0xA;
	s2 =	sadd.s32 s3, s2  }
0x8d: {  	s2 =	sadd.s32 s2, s17  }
0x8e: {  	[smem:$0x3FBC] =	sst s2  }
0x8f: {  	_ = 	snop  }
0x90: {  	s2 =	sld [smem:$0x3FD0];
	(tm) =	ssettm $0x1  }
0x91: {  	s18 =	sld [smem:$0x3FFB];
	_ =	sdelay $0x3  }
0x92: {  	_ =	strace s18  }
0x93: {  	s3 =	sld [smem:$0x3FFC];
	_ =	sdelay $0x3  }
0x94: {  	_ =	strace s3  }
0x95: {  	s3 =	sld [smem:$0x3FFD];
	_ =	sdelay $0x3  }
0x96: {  	_ =	strace s3  }
0x97: {  	_ =	strace $0x8FFFFFFF  }
0x98: {  	s19 =	sld [smem:$0x3FDB];
	_ =	sdelay $0x1  }
0x99: {  	s4 =	simm.s32 $_scs_section_size  }
0x9a: {  	s5 =	simm.s32 $_size__tile_overlayer_lowered;
	s6 =	simm.s32 $_tile_overlayer_lowered  }
0x9b: {  	s22 =	simm.s32 $0x1BFF;
	s21 =	sshll.u32 s6, $0x1;
	s3 =	sadd.s32 s4, s19  }
0x9c: {  	s7 =	simm.s32 $0x0;
	s20 =	sshll.u32 s5, $0x1;
	s5 =	sadd.s32 s21, s3  }
0x9d: {  	[timem:s7], [sflag:s22] =	dma.local [hbm:s5], s20  }
0x9e: {  	_ =	swait.ge [sflag:s22], s20  }
0x9f: {  	s4 =	ssub.s32 $0x0, s20;
	[sflag:s22] =	ssyncset.done $0x0  }
0xa0: {  	[sflag:s22] =	ssyncadd.s32 s4;
	_ =	sdelay $0x1  }
0xa1: {  	s23 =	simm.s32 $0x1B8B  }
0xa2: {  	_ =	swait.ge [sflag:s23], $0x1  }
0xa3: {  	[sflag:s23] =	ssyncset.done $0x0  }
0xa4: {  	s25 =	simm.s32 $0x1B8E;
	s24 =	sld [smem:$0x3FFE];
	[sflag:s23] =	ssyncadd.s32 $0xFFFFFFFF  }
0xa5: {  	s26 =	simm.s32 $execute0_lowered;
	[smem:$0x3FD2] =	sst s25  }
0xa6: {  	s5 =	sshll.u32 s26, $0x1;
	_ =	strace $0x80000049;
	[dreg:$0x1] =	wrdreg $0xFFFFFFFF  }
0xa7: {  	s28 =	simm.s32 $_size_execute0_lowered;
	s3 =	sadd.s32 s3, s5;
	[dreg:$0x0] =	wrdreg $0x0  }
0xa8: {  	s5 =	sshll.u32 s28, $0x1;
	[dreg:$0x2] =	wrdreg s3  }
0xa9: {  	[dreg:$0x3] =	wrdreg s5  }
0xaa: {  	[dreg:$0x4] =	wrdreg $0xC0  }
0xab: {  	_ =	task [dreg:s7], $0x5FFFF  }
0xac: {  	[dreg:$0x1] =	wrdreg $0xFFFFFFFF  }
0xad: {  	[dreg:$0x0] =	wrdreg $0x60  }
0xae: {  	[dreg:$0x2] =	wrdreg s24  }
0xaf: {  	[dreg:$0x3] =	wrdreg s2  }
0xb0: {  	[dreg:$0x4] =	wrdreg $0x102000  }
0xb1: {  	[dreg:$0x5] =	wrdreg $0x9  }
0xb2: {  	_ =	task.clear_ibuf [dreg:s7], $0x6FFFF;
	_ =	strace $0x90000049  }
0xb3: {  	s29 =	simm.s32 $0x9;
	_ =	strace $0x8000004B  }
0xb4: {  	_ =	swait.ge [sflag:s29], $0x1  }
0xb5: {  	[sflag:s29] =	ssyncadd.s32 $0xFFFFFFFF  }
0xb6: {  	_ =	strace $0x9000004B  }
0xb7: {  	_ =	sfence  }
0xb8: {  	s30 =	sld [smem:$0x0];
	_ =	sdelay $0x2  }
0xb9: {  	s31 =	sshll.u32 s1, $0xD;
	s1 =	sshrl.u32 s1, $0x2  }
0xba: {  	s3 =	sand.u32 $0x4000, s31;
	s1 =	sadd.s32 s1, s30  }
0xbb: {  	s0 =	sor.u32 s3, s0;
	s1 =	sshll.u32 s1, $0x11  }
0xbc: {  	s0 =	sor.u32 s1, s0  }
0xbd: {  	s0 =	sadd.s32 $0x8F2B, s0  }
0xbe: {  	[sflag:s0] =	ssyncadd.remote.s32 $0x1  }
0xbf: {  	_ =	sfence.sel $0xFFFF  }
0xc0: {  	[dreg:$0x0] =	wrdreg $0xFFFFFFFF;
	(pc) =	sbr.abs _section_cstart, $3  }
0xc1: {  	[dreg:$0x1] =	wrdreg $0xFFFFFFFF  }
0xc2: {  	_ =	task.clear_ibuf [dreg:s7], $0x2FFFF;
	_ =	strace $0x9FFFFFFF  }
0xc3: {  	(tm) =	ssettm $0x7FFFFFFF  }
tec
execute0_lowered:
.L_overlay_start_1:
0x0: {  	(tag) =	ssettag $0x1  }
0x1: {  	s17 =	rddreg [dreg:$0x0]  }
0x2: {  	s4 =	rddreg [dreg:$0x1]  }
0x3: {  	s1 =	rddreg [dreg:$0x2]  }
0x4: {  	s0 =	rddreg [dreg:$0x3];
	s3 =	simm.s32 $0x0  }
0x5: {  	s2 =	srdreg.scid;
	[smem:$0x7FF] =	sst s3  }
0x6: {  	s18 =	sand.u32 $0x1, s2;
	s2 =	stileid.u32;
	_ =	strace $0x8000004A  }
0x7: {  	s8 =	sshll.u32 s18, $0x6;
	s19 =	sshll.u32 s2, $0xB;
	s9 =	sshll.u32 s2, $0xE  }
0x8: {  	s5 =	sshll.u32 s2, $0x6;
	s6 =	sadd.s32 s9, s1;
	s4 =	sadd.s32 s4, s19  }
0x9: {  	s5 =	sor.u32 $0x1C01, s5;
	s7 =	sshrl.u32 s6, $0x3;
	s6 =	simm.s32 $0x1  }
0xa: {  	[spmem:s7], [sflag:s5] =	dma.local [hbm:s4], $0x800  }
0xb: {  	s10 =	sshll.u32 s2, $0x7;
	s8 =	sadd.s32 s8, s17;
	_ =	swait.ge [sflag:s6], $0x800  }
0xc: {  	s8 =	sadd.s32 s10, s8;
	[sflag:s6] =	ssyncset.done $0x0  }
0xd: {  	s29 =	sshll.u32 s18, $0xD;
	s8 =	sadd.s32 $0x3E00, s8;
	[sflag:s6] =	ssyncadd.s32 $0xFFFFF800  }
0xe: {  	[tilespmem:s3], [sflag:$0x1] =	stream.linear.gather [hbm4b:s8+s3], $0x200, $0x38;
	[tilespmem:$0x14200] =	vst v63  }
0xf: {  	s10 =	sadd.s32 s29, s17;
	_ =	swait.ge [sflag:s6], $0x200  }
0x10: {  	s9 =	sadd.s32 s9, s10;
	[sflag:s6] =	ssyncset.done $0x0  }
0x11: {  	s10 =	simm.s32 $0x200;
	s9 =	sadd.s32 $0x4600, s9;
	[sflag:s6] =	ssyncadd.s32 $0xFFFFFE00  }
0x12: {  	[tilespmem:s10], [sflag:$0x1] =	stream.linear.gather [hbm4b:s9+s3], $0x10000, $0x38;
	[tilespmem:$0x14200] =	vst v63  }
0x13: {  	_ =	swait.ge [sflag:s6], $0x10000  }
0x14: {  	[sflag:s6] =	ssyncset.done $0x0  }
0x15: {  	[sflag:s6] =	ssyncadd.s32 $0xFFFF0000  }
0x16: {  	s11 =	simm.s32 $0x80;
	[bflag:$0x0] =	sbarrier.arrive $0xFFFF  }
0x17: {  	[spmem:s1] =	stream.indirect.scatter.add.f32 [tilespmem:s10], [sflag:$0x1], $0x80, s3, s11, $0xb8;
	[tilespmem:$0x14200] =	vst v63  }
0x18: {  	_ =	swait.ge [sflag:s6], $0x4000  }
0x19: {  	[sflag:s6] =	ssyncset.done $0x0  }
0x1a: {  	s12 =	simm.s32 $0x4200;
	[sflag:s6] =	ssyncadd.s32 $0xFFFFC000  }
0x1b: {  	[spmem:s1] =	stream.indirect.scatter.add.f32 [tilespmem:s12], [sflag:$0x1], $0x80, s11, s11, $0xb8;
	[tilespmem:$0x14200] =	vst v63  }
0x1c: {  	_ =	swait.ge [sflag:s6], $0x4000  }
0x1d: {  	[sflag:s6] =	ssyncset.done $0x0  }
0x1e: {  	s13 =	simm.s32 $0x100;
	s14 =	simm.s32 $0x8200;
	[sflag:s6] =	ssyncadd.s32 $0xFFFFC000  }
0x1f: {  	[spmem:s1] =	stream.indirect.scatter.add.f32 [tilespmem:s14], [sflag:$0x1], $0x80, s13, s11, $0xb8;
	[tilespmem:$0x14200] =	vst v63  }
0x20: {  	s15 =	simm.s32 $0x180;
	s30 =	ssub.s32 $0x2, s18;
	_ =	swait.ge [sflag:s6], $0x4000  }
0x21: {  	s16 =	simm.s32 $0xC200;
	s20 =	sshrl.u32 s30, $0x1;
	[sflag:s6] =	ssyncset.done $0x0  }
0x22: {  	s17 =	sadd.s32 s19, s17;
	s19 =	ssub.s32 s30, s20;
	[sflag:s6] =	ssyncadd.s32 $0xFFFFC000  }
0x23: {  	[spmem:s1] =	stream.indirect.scatter.add.f32 [tilespmem:s16], [sflag:$0x1], $0x80, s15, s11, $0xb8;
	[tilespmem:$0x14200] =	vst v63  }
0x24: {  	s31 =	smax.u32 s19, $0x1;
	_ =	swait.ge [sflag:s6], $0x4000  }
0x25: {  	s18 =	sshll.u32 s18, $0xF;
	p0 =	sne.s32 s31, $0x1;
	[sflag:s6] =	ssyncset.done $0x0  }
.Ltmp0:
0x26: {  	s17 =	sadd.s32 s18, s17;
	[sflag:s6] =	ssyncadd.s32 $0xFFFFC000;
	(pc) =	sbr.rel @!p0 .LBB2_2-.Ltmp0, $4  }
0x27: {  	s17 =	sadd.s32 $0x44600, s17;
	[bflag:$0x0] =	sbarrier.arrive $0xFFFF  }
0x28: {  	[hbm:s17], [sflag:s5] =	dma.local [spmem:s7], $0x800  }
0x29: {  	_ =	swait.ge [sflag:s6], $0x800  }
0x2a: {  	s18 =	sadd.s32 $0xFFFFFFFF, s31;
	[sflag:s6] =	ssyncset.done $0x0  }
.LBB2_1:
0x2b: {  	p0 =	sne.s32 s18, $0x1;
	s18 =	sadd.s32 $0xFFFFFFFF, s18;
	[sflag:s6] =	ssyncadd.s32 $0xFFFFF800  }
0x2c: {  	[spmem:s7], [sflag:s5] =	dma.local [hbm:s4], $0x800  }
0x2d: {  	_ =	swait.ge [sflag:s6], $0x800  }
0x2e: {  	[sflag:s6] =	ssyncset.done $0x0  }
0x2f: {  	[sflag:s6] =	ssyncadd.s32 $0xFFFFF800  }
0x30: {  	[tilespmem:s3], [sflag:$0x1] =	stream.linear.gather [hbm4b:s8+s3], $0x200, $0x38;
	[tilespmem:$0x14200] =	vst v63  }
0x31: {  	_ =	swait.ge [sflag:s6], $0x200  }
0x32: {  	[sflag:s6] =	ssyncset.done $0x0  }
0x33: {  	[sflag:s6] =	ssyncadd.s32 $0xFFFFFE00  }
0x34: {  	[tilespmem:s10], [sflag:$0x1] =	stream.linear.gather [hbm4b:s9+s3], $0x10000, $0x38;
	[tilespmem:$0x14200] =	vst v63  }
0x35: {  	_ =	swait.ge [sflag:s6], $0x10000  }
0x36: {  	[sflag:s6] =	ssyncset.done $0x0  }
0x37: {  	[sflag:s6] =	ssyncadd.s32 $0xFFFF0000  }
0x38: {  	[bflag:$0x0] =	sbarrier.arrive $0xFFFF  }
0x39: {  	[spmem:s1] =	stream.indirect.scatter.add.f32 [tilespmem:s10], [sflag:$0x1], $0x80, s3, s11, $0xb8;
	[tilespmem:$0x14200] =	vst v63  }
0x3a: {  	_ =	swait.ge [sflag:s6], $0x4000  }
0x3b: {  	[sflag:s6] =	ssyncset.done $0x0  }
0x3c: {  	[sflag:s6] =	ssyncadd.s32 $0xFFFFC000  }
0x3d: {  	[spmem:s1] =	stream.indirect.scatter.add.f32 [tilespmem:s12], [sflag:$0x1], $0x80, s11, s11, $0xb8;
	[tilespmem:$0x14200] =	vst v63  }
0x3e: {  	_ =	swait.ge [sflag:s6], $0x4000  }
0x3f: {  	[sflag:s6] =	ssyncset.done $0x0  }
0x40: {  	[sflag:s6] =	ssyncadd.s32 $0xFFFFC000  }
0x41: {  	[spmem:s1] =	stream.indirect.scatter.add.f32 [tilespmem:s14], [sflag:$0x1], $0x80, s13, s11, $0xb8;
	[tilespmem:$0x14200] =	vst v63  }
0x42: {  	_ =	swait.ge [sflag:s6], $0x4000  }
0x43: {  	[sflag:s6] =	ssyncset.done $0x0  }
0x44: {  	[sflag:s6] =	ssyncadd.s32 $0xFFFFC000  }
0x45: {  	[spmem:s1] =	stream.indirect.scatter.add.f32 [tilespmem:s16], [sflag:$0x1], $0x80, s15, s11, $0xb8;
	[tilespmem:$0x14200] =	vst v63  }
0x46: {  	_ =	swait.ge [sflag:s6], $0x4000  }
0x47: {  	[sflag:s6] =	ssyncset.done $0x0  }
.Ltmp1:
0x48: {  	[sflag:s6] =	ssyncadd.s32 $0xFFFFC000;
	(pc) =	sbr.rel @p0 .LBB2_1-.Ltmp1, $4  }
0x49: {  	[bflag:$0x0] =	sbarrier.arrive $0xFFFF  }
0x4a: {  	[hbm:s17], [sflag:s5] =	dma.local [spmem:s7], $0x800  }
0x4b: {  	_ =	swait.ge [sflag:s6], $0x800  }
0x4c: {  	[sflag:s6] =	ssyncset.done $0x0  }
.LBB2_2:
0x4d: {  	[sflag:s6] =	ssyncadd.s32 $0xFFFFF800  }
0x4e: {  	_ =	sfence.sel $0x180000  }
0x4f: {  	[bflag:$0x0] =	sbarrier.arrive $0xFFFF  }
0x50: {  	p0 =	sne.s32 s2, $0x0;
	_ =	strace $0x9000004A  }
0x51: {  	s0 =	sadd.s32 @!p0 $0x100000, s0;
	[bflag:$0x2] =	sbarrier.arrive $0xFFFF  }
0x52: {  	[sflag:s0] =	ssyncadd.tile.s32 @!p0 $0x1;
	_ =	shalt  }
.Lfunc_end2:
_tile_overlayer_lowered:
.L_overlay_start_2:
0x53: {  	(tag) =	ssettag $0x2  }
0x54: {  	s0 =	rddreg [dreg:$0x0];
	s2 =	stileid.u32  }
0x55: {  	s1 =	rddreg [dreg:$0x1];
	p0 =	sne.s32 s2, $0x0  }
0x56: {  	s3 =	rddreg [dreg:$0x2];
	[bflag:$0x3] =	sbarrier.arrive $0xFFFF;
	s2 =	simm.s32 @!p0 $0x1C01  }
0x57: {  	[timem:s3], [sflag:s2] =	dma.local @!p0 [hbm:s0], s1  }
0x58: {  	s0 =	simm.s32 @!p0 $0x1  }
0x59: {  	_ =	swait.ge @!p0 [sflag:s0], s1  }
0x5a: {  	s1 =	ssub.s32 @!p0 $0x0, s1;
	[sflag:s0] =	ssyncset.done @!p0 $0x0  }
0x5b: {  	[sflag:s0] =	ssyncadd.s32 @!p0 s1  }
0x5c: {  	[bflag:$0x3] =	sbarrier.arrive $0xFFFF  }
0x5d: {  	_ =	shalt  }

// kernel: kernel.7.cloned.1.call-start
scs
__scs_entry_jumppad:
0x0: {  	(pc) =	sbr.rel $0x88, $3  }
0x1: {  	(tag) =	ssettag $0x0;
	lr =	simm.s32 $0x1  }
0x2: {  	[smem:$0x3F95] =	sst lr;
	_ =	strace $0xD0000000  }
0x3: {  	_ = 	snop  }
0x4: {  	_ = 	snop  }
0x5: {  	_ = 	snop  }
0x6: {  	_ = 	snop  }
0x7: {  	_ = 	snop  }
__scs_overlays_trampoline_lowered:
0x8: {  	[smem:$0x3FA4] =	sst s0  }
0x9: {  	[smem:$0x3FA5] =	sst s1  }
0xa: {  	[smem:$0x3FA6] =	sst s2  }
0xb: {  	[smem:$0x3FA7] =	sst s3  }
0xc: {  	[smem:$0x3FA8] =	sst s4  }
0xd: {  	[smem:$0x3FA9] =	sst s5  }
0xe: {  	[smem:$0x3FAA] =	sst s6  }
0xf: {  	[smem:$0x3FAB] =	sst s7  }
0x10: {  	[smem:$0x3FAC] =	sst s8  }
0x11: {  	[smem:$0x3FAD] =	sst s9;
	s0 =	simm.s32 @!p0 $0x0  }
0x12: {  	s1 =	sld [smem:$0x3F93];
	s0 =	simm.s32 @p0 $0x1  }
0x13: {  	[smem:$0x3FAE] =	sst s0;
	s0 =	simm.s32 @!p1 $0x0  }
0x14: {  	s2 =	sld [smem:$0x3F92];
	s0 =	simm.s32 @p1 $0x1  }
0x15: {  	[smem:$0x3FAF] =	sst s0;
	s0 =	simm.s32 @!p2 $0x0  }
0x16: {  	s3 =	sld [smem:$0x3FDB];
	s0 =	simm.s32 @p2 $0x1  }
0x17: {  	s4 =	simm.s32 $0x1BF5;
	[smem:$0x3FB1] =	sst s0  }
0x18: {  	s0 =	sld [smem:$0x3F94];
	_ =	swait.ge [sflag:s4], $0x0  }
0x19: {  	s7 =	sld [smem:$0x3F95]  }
0x1a: {  	s8 =	sadd.s32 $0xFFFFE003, lr  }
0x1b: {  	s9 =	sadd.s32 $0xFFFFFEF7, lr;
	s5 =	simm.s32 $0xFFFFFFFF;
	p2 =	slt.u32 s8, $0xFFFFF086  }
0x1c: {  	p1 =	slt.u32 s9, $0xF7A;
	s5 =	simm.s32 @!p2 $0x0  }
0x1d: {  	s5 =	simm.s32 @p1 $0x1;
	p0 =	seq.s32 s7, s2  }
0x1e: {  	s7 =	smul.u32 @!p0 $0xF7A, s2;
	p2 =	seq.s32 @!p0 s5, $0x0  }
0x1f: {  	s9 =	smul.u32 $0xF7A, s1;
	s8 =	simm.s32 @!p0 $0x1BF5;
	p2 =	por !p2, p0  }
0x20: {  	[sflag:s8] =	ssyncset.s32 @!p0 $0xFFFFF086;
	s6 =	sadd.s32 @!p0 s3, s7;
	s7 =	simm.s32 @!p0 $0x108  }
0x21: {  	s3 =	sadd.s32 s3, s9;
	s6 =	sadd.s32 @!p0 $0x88, s6;
	s7 =	simm.s32 @p2 $0x1082  }
0x22: {  	[simem:s7], [sflag:s8] =	dma.local @!p0 [hbm:s6], $0xF7A  }
0x23: {  	s9 =	sor.u32 $0xD0000000, s2;
	s6 =	simm.s32 $0x108;
	_ =	swait.ge @!p0 [sflag:s8], $0x0  }
0x24: {  	s3 =	sadd.s32 $0x88, s3;
	s6 =	simm.s32 @!p1 $0x1082;
	[sflag:s4] =	ssyncset.s32 $0xFFFFF086  }
0x25: {  	[simem:s6], [sflag:s4] =	dma.local [hbm:s3], $0xF7A  }
0x26: {  	[smem:$0x3F95] =	sst s1;
	(tag) =	ssettag s2;
	_ =	strace s9  }
0x27: {  	s1 =	sld [smem:$0x3FA5]  }
0x28: {  	s2 =	sld [smem:$0x3FA6]  }
0x29: {  	s4 =	sld [smem:$0x3FA8]  }
0x2a: {  	p0 =	seq.s32 s5, $0x0;
	s5 =	sld [smem:$0x3FA9]  }
0x2b: {  	s6 =	sld [smem:$0x3FAA]  }
0x2c: {  	s7 =	sld [smem:$0x3FAB]  }
0x2d: {  	s3 =	simm.s32 $0x108;
	s8 =	sld [smem:$0x3FAC]  }
0x2e: {  	s3 =	simm.s32 @!p0 $0x1082;
	s9 =	sld [smem:$0x3FAD]  }
0x2f: {  	lr =	sadd.s32 s0, s3;
	s0 =	sld [smem:$0x3FA4]  }
0x30: {  	s3 =	sld [smem:$0x3FA7]  }
0x31: {  	[smem:$0x3FB0] =	sst s10  }
0x32: {  	s10 =	sld [smem:$0x3FAE];
	_ =	sdelay $0x3  }
0x33: {  	p0 =	seq.s32 s10, $0x1;
	s10 =	sld [smem:$0x3FB0];
	_ =	sdelay $0x3  }
0x34: {  	[smem:$0x3FB0] =	sst s10  }
0x35: {  	s10 =	sld [smem:$0x3FAF];
	_ =	sdelay $0x3  }
0x36: {  	p1 =	seq.s32 s10, $0x1;
	s10 =	sld [smem:$0x3FB0];
	_ =	sdelay $0x3  }
0x37: {  	[smem:$0x3FB0] =	sst s10  }
0x38: {  	s10 =	sld [smem:$0x3FB1]  }
0x39: {  	_ = 	snop;
	(pc) =	sbr.ind lr, $3  }
0x3a: {  	_ = 	snop  }
0x3b: {  	_ = 	snop  }
0x3c: {  	p2 =	seq.s32 s10, $0x1;
	s10 =	sld [smem:$0x3FB0]  }
0x3d: {  	_ =	shalt  }
0x3e: {  	_ =	shalt  }
0x3f: {  	_ =	shalt  }
0x40: {  	_ =	shalt  }
0x41: {  	_ =	shalt  }
0x42: {  	_ =	shalt  }
0x43: {  	_ =	shalt  }
0x44: {  	_ =	shalt  }
0x45: {  	_ =	shalt  }
0x46: {  	_ =	shalt  }
0x47: {  	_ =	shalt  }
0x48: {  	_ =	shalt  }
0x49: {  	_ =	shalt  }
0x4a: {  	_ =	shalt  }
0x4b: {  	_ =	shalt  }
0x4c: {  	_ =	shalt  }
0x4d: {  	_ =	shalt  }
0x4e: {  	_ =	shalt  }
0x4f: {  	_ =	shalt  }
0x50: {  	_ =	shalt  }
0x51: {  	_ =	shalt  }
0x52: {  	_ =	shalt  }
0x53: {  	_ =	shalt  }
0x54: {  	_ =	shalt  }
0x55: {  	_ =	shalt  }
0x56: {  	_ =	shalt  }
0x57: {  	_ =	shalt  }
0x58: {  	_ =	shalt  }
0x59: {  	_ =	shalt  }
0x5a: {  	_ =	shalt  }
0x5b: {  	_ =	shalt  }
0x5c: {  	_ =	shalt  }
0x5d: {  	_ =	shalt  }
0x5e: {  	_ =	shalt  }
0x5f: {  	_ =	shalt  }
0x60: {  	_ =	shalt  }
0x61: {  	_ =	shalt  }
0x62: {  	_ =	shalt  }
0x63: {  	_ =	shalt  }
0x64: {  	_ =	shalt  }
0x65: {  	_ =	shalt  }
0x66: {  	_ =	shalt  }
0x67: {  	_ =	shalt  }
0x68: {  	_ =	shalt  }
0x69: {  	_ =	shalt  }
0x6a: {  	_ =	shalt  }
0x6b: {  	_ =	shalt  }
0x6c: {  	_ =	shalt  }
0x6d: {  	_ =	shalt  }
0x6e: {  	_ =	shalt  }
0x6f: {  	_ =	shalt  }
0x70: {  	_ =	shalt  }
0x71: {  	_ =	shalt  }
0x72: {  	_ =	shalt  }
0x73: {  	_ =	shalt  }
0x74: {  	_ =	shalt  }
0x75: {  	_ =	shalt  }
0x76: {  	_ =	shalt  }
0x77: {  	_ =	shalt  }
0x78: {  	_ =	shalt  }
0x79: {  	_ =	shalt  }
0x7a: {  	_ =	shalt  }
0x7b: {  	_ =	shalt  }
0x7c: {  	_ =	shalt  }
0x7d: {  	_ =	shalt  }
0x7e: {  	_ =	shalt  }
0x7f: {  	_ =	shalt  }
0x80: {  	_ =	shalt  }
0x81: {  	_ =	shalt  }
0x82: {  	_ =	shalt  }
0x83: {  	_ =	shalt  }
0x84: {  	_ =	shalt  }
0x85: {  	_ =	shalt  }
0x86: {  	_ =	shalt  }
0x87: {  	_ =	shalt  }
.Lfunc_end0:
.L_simem_size_0:
called_computation_lowered:
.L_overlay_start_0:
0x88: {  	s2 =	sld [smem:$0x3FD9]  }
0x89: {  	s3 =	sld [smem:$0x3FFE];
	_ =	sdelay $0x1  }
0x8a: {  	s1 =	srdreg.scid  }
0x8b: {  	s0 =	sand.u32 $0x1, s1  }
0x8c: {  	s17 =	sshll.u32 s0, $0xA;
	s2 =	sadd.s32 s3, s2  }
0x8d: {  	s2 =	sadd.s32 s2, s17  }
0x8e: {  	[smem:$0x3FBC] =	sst s2  }
0x8f: {  	_ = 	snop  }
0x90: {  	s2 =	sld [smem:$0x3FD0];
	(tm) =	ssettm $0x1  }
0x91: {  	s18 =	sld [smem:$0x3FFB];
	_ =	sdelay $0x3  }
0x92: {  	_ =	strace s18  }
0x93: {  	s3 =	sld [smem:$0x3FFC];
	_ =	sdelay $0x3  }
0x94: {  	_ =	strace s3  }
0x95: {  	s3 =	sld [smem:$0x3FFD];
	_ =	sdelay $0x3  }
0x96: {  	_ =	strace s3  }
0x97: {  	_ =	strace $0x8FFFFFFF  }
0x98: {  	s19 =	sld [smem:$0x3FDB];
	_ =	sdelay $0x1  }
0x99: {  	s4 =	simm.s32 $_scs_section_size  }
0x9a: {  	s5 =	simm.s32 $_size__tile_overlayer_lowered;
	s6 =	simm.s32 $_tile_overlayer_lowered  }
0x9b: {  	s22 =	simm.s32 $0x1BFF;
	s21 =	sshll.u32 s6, $0x1;
	s3 =	sadd.s32 s4, s19  }
0x9c: {  	s7 =	simm.s32 $0x0;
	s20 =	sshll.u32 s5, $0x1;
	s5 =	sadd.s32 s21, s3  }
0x9d: {  	[timem:s7], [sflag:s22] =	dma.local [hbm:s5], s20  }
0x9e: {  	_ =	swait.ge [sflag:s22], s20  }
0x9f: {  	s4 =	ssub.s32 $0x0, s20;
	[sflag:s22] =	ssyncset.done $0x0  }
0xa0: {  	[sflag:s22] =	ssyncadd.s32 s4;
	_ =	sdelay $0x1  }
0xa1: {  	s23 =	simm.s32 $0x1B8B  }
0xa2: {  	_ =	swait.ge [sflag:s23], $0x1  }
0xa3: {  	[sflag:s23] =	ssyncset.done $0x0  }
0xa4: {  	s25 =	simm.s32 $0x1B8E;
	s24 =	sld [smem:$0x3FFE];
	[sflag:s23] =	ssyncadd.s32 $0xFFFFFFFF  }
0xa5: {  	s26 =	simm.s32 $execute0_lowered;
	[smem:$0x3FD2] =	sst s25  }
0xa6: {  	s5 =	sshll.u32 s26, $0x1;
	_ =	strace $0x80000046;
	[dreg:$0x1] =	wrdreg $0xFFFFFFFF  }
0xa7: {  	s28 =	simm.s32 $_size_execute0_lowered;
	s3 =	sadd.s32 s3, s5;
	[dreg:$0x0] =	wrdreg $0x0  }
0xa8: {  	s5 =	sshll.u32 s28, $0x1;
	[dreg:$0x2] =	wrdreg s3  }
0xa9: {  	[dreg:$0x3] =	wrdreg s5  }
0xaa: {  	[dreg:$0x4] =	wrdreg $0xC0  }
0xab: {  	_ =	task [dreg:s7], $0x5FFFF  }
0xac: {  	[dreg:$0x1] =	wrdreg $0xFFFFFFFF  }
0xad: {  	[dreg:$0x0] =	wrdreg $0x60  }
0xae: {  	[dreg:$0x2] =	wrdreg s24  }
0xaf: {  	[dreg:$0x3] =	wrdreg s2  }
0xb0: {  	[dreg:$0x4] =	wrdreg $0x9  }
0xb1: {  	_ =	task.clear_ibuf [dreg:s7], $0x5FFFF;
	_ =	strace $0x90000046  }
0xb2: {  	s29 =	simm.s32 $0x9;
	_ =	strace $0x80000048  }
0xb3: {  	_ =	swait.ge [sflag:s29], $0x1  }
0xb4: {  	[sflag:s29] =	ssyncadd.s32 $0xFFFFFFFF  }
0xb5: {  	_ =	strace $0x90000048  }
0xb6: {  	_ =	sfence  }
0xb7: {  	s30 =	sld [smem:$0x0];
	_ =	sdelay $0x2  }
0xb8: {  	s31 =	sshll.u32 s1, $0xD;
	s1 =	sshrl.u32 s1, $0x2  }
0xb9: {  	s3 =	sand.u32 $0x4000, s31;
	s1 =	sadd.s32 s1, s30  }
0xba: {  	s0 =	sor.u32 s3, s0;
	s1 =	sshll.u32 s1, $0x11  }
0xbb: {  	s0 =	sor.u32 s1, s0  }
0xbc: {  	s0 =	sadd.s32 $0x8F2B, s0  }
0xbd: {  	[sflag:s0] =	ssyncadd.remote.s32 $0x1  }
0xbe: {  	_ =	sfence.sel $0xFFFF  }
0xbf: {  	[dreg:$0x0] =	wrdreg $0xFFFFFFFF;
	(pc) =	sbr.abs _section_cstart, $3  }
0xc0: {  	[dreg:$0x1] =	wrdreg $0xFFFFFFFF  }
0xc1: {  	_ =	task.clear_ibuf [dreg:s7], $0x2FFFF;
	_ =	strace $0x9FFFFFFF  }
0xc2: {  	(tm) =	ssettm $0x7FFFFFFF  }
0xc3: {  	_ =	shalt  }
tec
execute0_lowered:
.L_overlay_start_1:
0x0: {  	(tag) =	ssettag $0x1  }
0x1: {  	s14 =	rddreg [dreg:$0x0];
	s0 =	srdreg.scid  }
0x2: {  	s2 =	rddreg [dreg:$0x1];
	s15 =	sand.u32 $0x1, s0  }
0x3: {  	s1 =	stileid.u32;
	s3 =	simm.s32 $0x0;
	s4 =	sshll.u32 s15, $0x6  }
0x4: {  	s0 =	rddreg [dreg:$0x2];
	s5 =	sshll.u32 s1, $0x7;
	s4 =	sadd.s32 s4, s14  }
0x5: {  	[smem:$0x7FF] =	sst s3;
	s4 =	sadd.s32 s5, s4  }
0x6: {  	_ =	strace $0x80000047;
	s5 =	sadd.s32 $0x3600, s4;
	s4 =	simm.s32 $0x2  }
0x7: {  	[tilespmem:s3], [sflag:$0x2] =	stream.linear.gather [hbm4b:s5+s3], $0x200, $0x38;
	[tilespmem:$0x10200] =	vst v63  }
0x8: {  	_ =	swait.ge [sflag:s4], $0x200  }
0x9: {  	[sflag:s4] =	ssyncset.done $0x0  }
0xa: {  	s6 =	simm.s32 $0x80;
	s7 =	simm.s32 $0x200;
	[sflag:s4] =	ssyncadd.s32 $0xFFFFFE00  }
0xb: {  	[tilespmem:s7], [sflag:$0x1] =	stream.indirect.gather [hbm4b:s2+s6], $0x80, s3, s6, $0xb8;
	[tilespmem:$0x10200] =	vst v63  }
0xc: {  	s8 =	simm.s32 $0x4200  }
0xd: {  	[tilespmem:s8], [sflag:$0x1] =	stream.indirect.gather [hbm4b:s2+s6], $0x80, s6, s6, $0xb8;
	[tilespmem:$0x10200] =	vst v63  }
0xe: {  	s9 =	simm.s32 $0x100;
	s10 =	simm.s32 $0x8200  }
0xf: {  	[tilespmem:s10], [sflag:$0x1] =	stream.indirect.gather [hbm4b:s2+s6], $0x80, s9, s6, $0xb8;
	[tilespmem:$0x10200] =	vst v63  }
0x10: {  	s11 =	simm.s32 $0x180;
	s12 =	simm.s32 $0xC200;
	s13 =	simm.s32 $0x1  }
0x11: {  	[tilespmem:s12], [sflag:$0x1] =	stream.indirect.gather [hbm4b:s2+s6], $0x80, s11, s6, $0xb8;
	[tilespmem:$0x10200] =	vst v63  }
0x12: {  	_ =	swait.ge [sflag:s13], $0x4000  }
0x13: {  	[sflag:s13] =	ssyncset.done $0x0  }
0x14: {  	[sflag:s13] =	ssyncadd.s32 $0xFFFFC000  }
0x15: {  	_ =	swait.ge [sflag:s13], $0x4000  }
0x16: {  	[sflag:s13] =	ssyncset.done $0x0  }
0x17: {  	s16 =	sshll.u32 s15, $0xD;
	s15 =	ssub.s32 $0x2, s15;
	[sflag:s13] =	ssyncadd.s32 $0xFFFFC000  }
0x18: {  	s31 =	sshrl.u32 s15, $0x1;
	_ =	swait.ge [sflag:s13], $0x4000  }
0x19: {  	s15 =	ssub.s32 s15, s31;
	[sflag:s13] =	ssyncset.done $0x0  }
0x1a: {  	s17 =	sshll.u32 s1, $0xE;
	s15 =	smax.u32 s15, $0x1;
	[sflag:s13] =	ssyncadd.s32 $0xFFFFC000  }
0x1b: {  	s14 =	sadd.s32 s16, s14;
	p0 =	sne.s32 s15, $0x1;
	_ =	swait.ge [sflag:s13], $0x4000  }
.Ltmp0:
0x1c: {  	s14 =	sadd.s32 s17, s14;
	[sflag:s13] =	ssyncset.done $0x0;
	(pc) =	sbr.rel @!p0 .LBB2_2-.Ltmp0, $4  }
0x1d: {  	s14 =	sadd.s32 $0x4600, s14;
	[sflag:s13] =	ssyncadd.s32 $0xFFFFC000  }
0x1e: {  	[hbm4b:s14+s3] =	stream.linear.scatter [tilespmem:s7], [sflag:$0x2], $0x10000, $0x38;
	[tilespmem:$0x10200] =	vst v63  }
0x1f: {  	_ =	swait.ge [sflag:s4], $0x10000  }
0x20: {  	s15 =	sadd.s32 $0xFFFFFFFF, s15;
	[sflag:s4] =	ssyncset.done $0x0  }
.LBB2_1:
0x21: {  	p0 =	sne.s32 s15, $0x1;
	s15 =	sadd.s32 $0xFFFFFFFF, s15;
	[sflag:s4] =	ssyncadd.s32 $0xFFFF0000  }
0x22: {  	[tilespmem:s3], [sflag:$0x2] =	stream.linear.gather [hbm4b:s5+s3], $0x200, $0x38;
	[tilespmem:$0x10200] =	vst v63  }
0x23: {  	_ =	swait.ge [sflag:s4], $0x200  }
0x24: {  	[sflag:s4] =	ssyncset.done $0x0  }
0x25: {  	[sflag:s4] =	ssyncadd.s32 $0xFFFFFE00  }
0x26: {  	[tilespmem:s7], [sflag:$0x1] =	stream.indirect.gather [hbm4b:s2+s6], $0x80, s3, s6, $0xb8;
	[tilespmem:$0x10200] =	vst v63  }
0x27: {  	_ = 	snop  }
0x28: {  	[tilespmem:s8], [sflag:$0x1] =	stream.indirect.gather [hbm4b:s2+s6], $0x80, s6, s6, $0xb8;
	[tilespmem:$0x10200] =	vst v63  }
0x29: {  	_ = 	snop  }
0x2a: {  	[tilespmem:s10], [sflag:$0x1] =	stream.indirect.gather [hbm4b:s2+s6], $0x80, s9, s6, $0xb8;
	[tilespmem:$0x10200] =	vst v63  }
0x2b: {  	_ = 	snop  }
0x2c: {  	[tilespmem:s12], [sflag:$0x1] =	stream.indirect.gather [hbm4b:s2+s6], $0x80, s11, s6, $0xb8;
	[tilespmem:$0x10200] =	vst v63  }
0x2d: {  	_ =	swait.ge [sflag:s13], $0x4000  }
0x2e: {  	[sflag:s13] =	ssyncset.done $0x0  }
0x2f: {  	[sflag:s13] =	ssyncadd.s32 $0xFFFFC000  }
0x30: {  	_ =	swait.ge [sflag:s13], $0x4000  }
0x31: {  	[sflag:s13] =	ssyncset.done $0x0  }
0x32: {  	[sflag:s13] =	ssyncadd.s32 $0xFFFFC000  }
0x33: {  	_ =	swait.ge [sflag:s13], $0x4000  }
0x34: {  	[sflag:s13] =	ssyncset.done $0x0  }
0x35: {  	[sflag:s13] =	ssyncadd.s32 $0xFFFFC000  }
0x36: {  	_ =	swait.ge [sflag:s13], $0x4000  }
.Ltmp1:
0x37: {  	[sflag:s13] =	ssyncset.done $0x0;
	(pc) =	sbr.rel @p0 .LBB2_1-.Ltmp1, $4  }
0x38: {  	[sflag:s13] =	ssyncadd.s32 $0xFFFFC000  }
0x39: {  	[hbm4b:s14+s3] =	stream.linear.scatter [tilespmem:s7], [sflag:$0x2], $0x10000, $0x38;
	[tilespmem:$0x10200] =	vst v63  }
0x3a: {  	_ =	swait.ge [sflag:s4], $0x10000  }
0x3b: {  	[sflag:s4] =	ssyncset.done $0x0  }
.LBB2_2:
0x3c: {  	[sflag:s4] =	ssyncadd.s32 $0xFFFF0000  }
0x3d: {  	_ =	sfence.sel $0x180000  }
0x3e: {  	[bflag:$0x0] =	sbarrier.arrive $0xFFFF  }
0x3f: {  	p0 =	sne.s32 s1, $0x0;
	_ =	strace $0x90000047  }
0x40: {  	s0 =	sadd.s32 @!p0 $0x100000, s0;
	[bflag:$0x2] =	sbarrier.arrive $0xFFFF  }
0x41: {  	[sflag:s0] =	ssyncadd.tile.s32 @!p0 $0x1;
	_ =	shalt  }
.Lfunc_end2:
_tile_overlayer_lowered:
.L_overlay_start_2:
0x42: {  	(tag) =	ssettag $0x2  }
0x43: {  	s0 =	rddreg [dreg:$0x0];
	s2 =	stileid.u32  }
0x44: {  	s1 =	rddreg [dreg:$0x1];
	p0 =	sne.s32 s2, $0x0  }
0x45: {  	s3 =	rddreg [dreg:$0x2];
	[bflag:$0x3] =	sbarrier.arrive $0xFFFF;
	s2 =	simm.s32 @!p0 $0x1C02  }
0x46: {  	[timem:s3], [sflag:s2] =	dma.local @!p0 [hbm:s0], s1  }
0x47: {  	s0 =	simm.s32 @!p0 $0x2  }
0x48: {  	_ =	swait.ge @!p0 [sflag:s0], s1  }
0x49: {  	s1 =	ssub.s32 @!p0 $0x0, s1;
	[sflag:s0] =	ssyncset.done @!p0 $0x0  }
0x4a: {  	[sflag:s0] =	ssyncadd.s32 @!p0 s1  }
0x4b: {  	[bflag:$0x3] =	sbarrier.arrive $0xFFFF  }
0x4c: {  	_ =	shalt  }

</sc_bundles>
